<compile_context>
chip_gen: v7x
topology: tpu7x:2x2x1
jax: 0.10.2.dev20260603
libtpu: 0.0.44.dev20260713+nightly
codegen_flags: <defaults>
</compile_context>

<pallas_src>
import functools

import jax
import jax.numpy as jnp
from jax import lax
from jax.experimental import pallas as pl
from jax.experimental.pallas import tpu as pltpu
from jax.experimental.pallas import tpu_sc as plsc

VOCAB = 1000
N = 204800
NC, NS, L = 2, 16, 16
NW = NC * NS
BPW = N // NW
CHUNK = 16
STEPS = BPW // CHUNK
NQ = 4
GROUPS = BPW // L

_NEG = -1e30


def _lse_body(tab_ref, out_ref, copy_ref):
    x = tab_ref[...]
    m = jnp.max(x, axis=1, keepdims=True)
    s = jnp.sum(jnp.exp(x - m), axis=1, keepdims=True)
    lse = m + jnp.log(s)
    out_ref[...] = jax.lax.broadcast_in_dim(lse, (VOCAB, 128), (0, 1))
    copy_ref[...] = x[:, :VOCAB]


def _compute_lse(table_padded):
    return pl.pallas_call(
        _lse_body,
        out_shape=[
            jax.ShapeDtypeStruct((VOCAB, 128), jnp.float32),
            jax.ShapeDtypeStruct((VOCAB, VOCAB), jnp.float32),
        ],
    )(table_padded)


_MESH = plsc.VectorSubcoreMesh(core_axis_name="c", subcore_axis_name="s")


@functools.partial(
    pl.kernel,
    mesh=_MESH,
    compiler_params=pltpu.CompilerParams(
        use_tc_tiling_on_sc=False, needs_layout_passes=False
    ),
    out_type=[
        jax.ShapeDtypeStruct((N, VOCAB), jnp.float32),
        jax.ShapeDtypeStruct((NW, L), jnp.float32),
    ],
    scratch_types=[
        pltpu.VMEM((BPW,), jnp.int32),
        pltpu.VMEM((BPW,), jnp.int32),
        pltpu.VMEM((BPW,), jnp.int32),
        pltpu.VMEM((BPW,), jnp.float32),
        pltpu.VMEM((BPW,), jnp.float32),
        pltpu.VMEM((L,), jnp.float32),
        [pltpu.VMEM((CHUNK, VOCAB), jnp.float32)] * NQ,
        [pltpu.SemaphoreType.DMA] * NQ,
        pltpu.SemaphoreType.DMA,
        pltpu.SemaphoreType.DMA,
    ],
)
def _sc_gather_loss(xb_hbm, yb_hbm, lse_hbm, table_hbm, tabflat_hbm,
                    out_hbm, part_hbm,
                    xb_v, yb_v, fidx_v, gath_v, lsex_v, acc_v,
                    bufs, sems, sem_g, sem_l):
    wid = lax.axis_index("s") * NC + lax.axis_index("c")
    base = wid * BPW
    pltpu.sync_copy(xb_hbm.at[pl.ds(base, BPW)], xb_v)
    pltpu.sync_copy(yb_hbm.at[pl.ds(base, BPW)], yb_v)

    def gather_rows(i, buf, sem):
        return pltpu.async_copy(
            table_hbm.at[xb_v.at[pl.ds(i * CHUNK, CHUNK)]], buf, sem
        )

    for q in range(NQ):
        gather_rows(q, bufs[q], sems[q])

    def fgroup(g, carry):
        fidx_v[pl.ds(g * L, L)] = (
            xb_v[pl.ds(g * L, L)] * VOCAB + yb_v[pl.ds(g * L, L)]
        )
        return carry

    lax.fori_loop(0, GROUPS, fgroup, 0)
    gath_dma = pltpu.async_copy(tabflat_hbm.at[fidx_v], gath_v, sem_g)
    lsex_dma = pltpu.async_copy(lse_hbm.at[xb_v], lsex_v, sem_l)

    def ring(r, carry):
        for q in range(NQ):
            i = r * NQ + q
            pltpu.make_async_copy(
                table_hbm.at[xb_v.at[pl.ds(i * CHUNK, CHUNK)]], bufs[q], sems[q]
            ).wait()
            pltpu.sync_copy(bufs[q], out_hbm.at[pl.ds(base + i * CHUNK, CHUNK)])

            @pl.when(i + NQ < STEPS)
            def _():
                gather_rows(i + NQ, bufs[q], sems[q])
        return carry

    lax.fori_loop(0, STEPS // NQ, ring, 0)

    gath_dma.wait()
    lsex_dma.wait()

    def agroup(g, acc):
        return acc + (lsex_v[pl.ds(g * L, L)] - gath_v[pl.ds(g * L, L)])

    acc = lax.fori_loop(0, GROUPS, agroup, jnp.zeros((L,), jnp.float32))
    acc_v[...] = acc
    pltpu.sync_copy(acc_v, part_hbm.at[wid])


def kernel(xb, yb, table):
    xb_flat = xb.reshape(N).astype(jnp.int32)
    yb_flat = yb.reshape(N).astype(jnp.int32)
    pad = jnp.full((VOCAB, 24), _NEG, dtype=jnp.float32)
    lse2d, tabcopy = _compute_lse(jnp.concatenate([table, pad], axis=1))
    lse = lse2d[:, 0]
    tabflat = tabcopy.reshape(VOCAB * VOCAB)
    logits, parts = _sc_gather_loss(xb_flat, yb_flat, lse, table, tabflat)
    loss = jnp.sum(parts) / jnp.float32(N)
    return (logits, loss)

# --- scband reference (transcript-rebuilt; emitter-appended) ---
"""Pipeline reference for scband-bigrammodel-4294967296065 (READ-ONLY COPY).

The authoritative reference and input builder live on the scoring server;
editing this copy changes nothing except your own understanding.
"""

import jax, jax.numpy as jnp
import numpy as np

VOCAB = 1000
B, T = 4096, 50

def setup_inputs(seed: int = 0) -> dict:
    key = jax.random.key(seed)
    k1, k2, k3 = jax.random.split(key, 3)
    xb = jax.random.randint(k1, (B, T), 0, VOCAB, dtype=jnp.int64 if jax.config.jax_enable_x64 else jnp.int32)
    yb = jax.random.randint(k2, (B, T), 0, VOCAB, dtype=jnp.int64 if jax.config.jax_enable_x64 else jnp.int32)
    # nn.Embedding(vocab_size, vocab_size) weight ~ N(0, 1)
    table = jax.random.normal(k3, (VOCAB, VOCAB), dtype=jnp.float32)
    return {"xb": xb, "yb": yb, "table": table}

def reference(xb, yb, table):
    # logits = self.lookup(xb)  -> gather rows of the embedding table
    logits = jnp.take(table, xb, axis=0)  # [B, T, C]
    Bs, Ts, C = logits.shape
    logits2 = logits.reshape(Bs * Ts, C)
    yb2 = yb.reshape(Bs * Ts)
    # F.cross_entropy(logits, yb) with mean reduction
    logp = jax.nn.log_softmax(logits2, axis=-1)
    nll = -jnp.take_along_axis(logp, yb2[:, None], axis=1)[:, 0]
    loss = jnp.mean(nll)
    return (logits2, loss)

if __name__ == "__main__":
    import jax
    _d = setup_inputs()
    print(jax.jit(kernel)(*tuple(_d.values())))

</pallas_src>

<mosaic_0001>
#map = affine_map<(d0, d1) -> (0)>
#map1 = affine_map<(d0, d1) -> (0, 0)>
module attributes {stable_mosaic.version = 14 : i64} {
  func.func @_sc_gather_loss(%arg0: i32, %arg1: i32, %arg2: memref<204800xi32, #tpu.memory_space<hbm>>, %arg3: memref<204800xi32, #tpu.memory_space<hbm>>, %arg4: memref<1000xf32, #tpu.memory_space<hbm>>, %arg5: memref<1000x1000xf32, #tpu.memory_space<hbm>>, %arg6: memref<1000000xf32, #tpu.memory_space<hbm>>, %arg7: memref<204800x1000xf32, #tpu.memory_space<hbm>>, %arg8: memref<32x16xf32, #tpu.memory_space<hbm>>, %arg9: memref<6400xi32, #tpu.memory_space<vmem>>, %arg10: memref<6400xi32, #tpu.memory_space<vmem>>, %arg11: memref<6400xi32, #tpu.memory_space<vmem>>, %arg12: memref<6400xf32, #tpu.memory_space<vmem>>, %arg13: memref<6400xf32, #tpu.memory_space<vmem>>, %arg14: memref<16xf32, #tpu.memory_space<vmem>>, %arg15: memref<16x1000xf32, #tpu.memory_space<vmem>>, %arg16: memref<16x1000xf32, #tpu.memory_space<vmem>>, %arg17: memref<16x1000xf32, #tpu.memory_space<vmem>>, %arg18: memref<16x1000xf32, #tpu.memory_space<vmem>>, %arg19: memref<!tpu.dma_semaphore, #tpu.memory_space<semaphore_mem>>, %arg20: memref<!tpu.dma_semaphore, #tpu.memory_space<semaphore_mem>>, %arg21: memref<!tpu.dma_semaphore, #tpu.memory_space<semaphore_mem>>, %arg22: memref<!tpu.dma_semaphore, #tpu.memory_space<semaphore_mem>>, %arg23: memref<!tpu.dma_semaphore, #tpu.memory_space<semaphore_mem>>, %arg24: memref<!tpu.dma_semaphore, #tpu.memory_space<semaphore_mem>>) attributes {dimension_semantics = [#tpu.dimension_semantics<core_parallel>, #tpu.dimension_semantics<subcore_parallel>], iteration_bounds = array<i64: 2, 16>, scalar_prefetch = 0 : i64, scratch_operands = 16 : i64, tpu.core_type = #tpu.core_type<sc_vector_subcore>, window_params = [{transform_indices = #map}, {transform_indices = #map}, {transform_indices = #map}, {transform_indices = #map1}, {transform_indices = #map}, {transform_indices = #map1}, {transform_indices = #map1}]} {
    %mul3A = arith.constant 2 : i32
    %mul3A_0 = arith.muli %arg1, %mul3A : i32
    %add3A = arith.addi %mul3A_0, %arg0 : i32
    %mul3A_1 = arith.constant 6400 : i32
    %mul3A_2 = arith.muli %add3A, %mul3A_1 : i32
    "tpu.region"() ({
      %run_scoped3A = tpu.sem_alloc : memref<!tpu.dma_semaphore, #tpu.memory_space<semaphore_mem>>
      %dma_start3A_48 = tpu.memref_slice %arg2[%mul3A_2] : memref<204800xi32, #tpu.memory_space<hbm>> -> memref<6400xi32, #tpu.memory_space<hbm>>
      %dma_start3A_49 = tpu.memref_slice %arg2[%mul3A_2] : memref<204800xi32, #tpu.memory_space<hbm>> -> memref<6400xi32, #tpu.memory_space<hbm>>
      tpu.enqueue_dma source(%dma_start3A_49 : memref<6400xi32, #tpu.memory_space<hbm>>) target(%arg9 : memref<6400xi32, #tpu.memory_space<vmem>>) target_semaphore(%run_scoped3A : memref<!tpu.dma_semaphore, #tpu.memory_space<semaphore_mem>>)
      %dma_wait3A_50 = tpu.memref_slice %arg2[%mul3A_2] : memref<204800xi32, #tpu.memory_space<hbm>> -> memref<6400xi32, #tpu.memory_space<hbm>>
      %dma_wait3A_51 = tpu.memref_slice %arg2[%mul3A_2] : memref<204800xi32, #tpu.memory_space<hbm>> -> memref<6400xi32, #tpu.memory_space<hbm>>
      tpu.wait_dma2 semaphore(%run_scoped3A : memref<!tpu.dma_semaphore, #tpu.memory_space<semaphore_mem>>) src(%dma_wait3A_51 : memref<6400xi32, #tpu.memory_space<hbm>>) dst(%arg9 : memref<6400xi32, #tpu.memory_space<vmem>>)
      tpu.yield
    }) : () -> ()
    "tpu.region"() ({
      %run_scoped3A = tpu.sem_alloc : memref<!tpu.dma_semaphore, #tpu.memory_space<semaphore_mem>>
      %dma_start3A_48 = tpu.memref_slice %arg3[%mul3A_2] : memref<204800xi32, #tpu.memory_space<hbm>> -> memref<6400xi32, #tpu.memory_space<hbm>>
      %dma_start3A_49 = tpu.memref_slice %arg3[%mul3A_2] : memref<204800xi32, #tpu.memory_space<hbm>> -> memref<6400xi32, #tpu.memory_space<hbm>>
      tpu.enqueue_dma source(%dma_start3A_49 : memref<6400xi32, #tpu.memory_space<hbm>>) target(%arg10 : memref<6400xi32, #tpu.memory_space<vmem>>) target_semaphore(%run_scoped3A : memref<!tpu.dma_semaphore, #tpu.memory_space<semaphore_mem>>)
      %dma_wait3A_50 = tpu.memref_slice %arg3[%mul3A_2] : memref<204800xi32, #tpu.memory_space<hbm>> -> memref<6400xi32, #tpu.memory_space<hbm>>
      %dma_wait3A_51 = tpu.memref_slice %arg3[%mul3A_2] : memref<204800xi32, #tpu.memory_space<hbm>> -> memref<6400xi32, #tpu.memory_space<hbm>>
      tpu.wait_dma2 semaphore(%run_scoped3A : memref<!tpu.dma_semaphore, #tpu.memory_space<semaphore_mem>>) src(%dma_wait3A_51 : memref<6400xi32, #tpu.memory_space<hbm>>) dst(%arg10 : memref<6400xi32, #tpu.memory_space<vmem>>)
      tpu.yield
    }) : () -> ()
    %dma_start3A = arith.constant 0 : i32
    %dma_start3A_3 = tpu.memref_slice %arg9[%dma_start3A] : memref<6400xi32, #tpu.memory_space<vmem>> -> memref<16xi32, #tpu.memory_space<vmem>>
    %dma_start3A_4 = arith.constant 0 : i32
    %dma_start3A_5 = arith.constant 0 : i32
    %dma_start3A_6 = tpu.memref_slice %arg5[%dma_start3A_4, %dma_start3A_5] : memref<1000x1000xf32, #tpu.memory_space<hbm>> -> memref<1000x1000xf32, #tpu.memory_space<hbm>>
    tpu.enqueue_indirect_dma source(%dma_start3A_6 : memref<1000x1000xf32, #tpu.memory_space<hbm>>) target(%arg15 : memref<16x1000xf32, #tpu.memory_space<vmem>>) offsets(%dma_start3A_3 : memref<16xi32, #tpu.memory_space<vmem>>) semaphore(%arg19 : memref<!tpu.dma_semaphore, #tpu.memory_space<semaphore_mem>>)
    %dma_start3A_7 = arith.constant 16 : i32
    %dma_start3A_8 = tpu.memref_slice %arg9[%dma_start3A_7] : memref<6400xi32, #tpu.memory_space<vmem>> -> memref<16xi32, #tpu.memory_space<vmem>>
    %dma_start3A_9 = arith.constant 0 : i32
    %dma_start3A_10 = arith.constant 0 : i32
    %dma_start3A_11 = tpu.memref_slice %arg5[%dma_start3A_9, %dma_start3A_10] : memref<1000x1000xf32, #tpu.memory_space<hbm>> -> memref<1000x1000xf32, #tpu.memory_space<hbm>>
    tpu.enqueue_indirect_dma source(%dma_start3A_11 : memref<1000x1000xf32, #tpu.memory_space<hbm>>) target(%arg16 : memref<16x1000xf32, #tpu.memory_space<vmem>>) offsets(%dma_start3A_8 : memref<16xi32, #tpu.memory_space<vmem>>) semaphore(%arg20 : memref<!tpu.dma_semaphore, #tpu.memory_space<semaphore_mem>>)
    %dma_start3A_12 = arith.constant 32 : i32
    %dma_start3A_13 = tpu.memref_slice %arg9[%dma_start3A_12] : memref<6400xi32, #tpu.memory_space<vmem>> -> memref<16xi32, #tpu.memory_space<vmem>>
    %dma_start3A_14 = arith.constant 0 : i32
    %dma_start3A_15 = arith.constant 0 : i32
    %dma_start3A_16 = tpu.memref_slice %arg5[%dma_start3A_14, %dma_start3A_15] : memref<1000x1000xf32, #tpu.memory_space<hbm>> -> memref<1000x1000xf32, #tpu.memory_space<hbm>>
    tpu.enqueue_indirect_dma source(%dma_start3A_16 : memref<1000x1000xf32, #tpu.memory_space<hbm>>) target(%arg17 : memref<16x1000xf32, #tpu.memory_space<vmem>>) offsets(%dma_start3A_13 : memref<16xi32, #tpu.memory_space<vmem>>) semaphore(%arg21 : memref<!tpu.dma_semaphore, #tpu.memory_space<semaphore_mem>>)
    %dma_start3A_17 = arith.constant 48 : i32
    %dma_start3A_18 = tpu.memref_slice %arg9[%dma_start3A_17] : memref<6400xi32, #tpu.memory_space<vmem>> -> memref<16xi32, #tpu.memory_space<vmem>>
    %dma_start3A_19 = arith.constant 0 : i32
    %dma_start3A_20 = arith.constant 0 : i32
    %dma_start3A_21 = tpu.memref_slice %arg5[%dma_start3A_19, %dma_start3A_20] : memref<1000x1000xf32, #tpu.memory_space<hbm>> -> memref<1000x1000xf32, #tpu.memory_space<hbm>>
    tpu.enqueue_indirect_dma source(%dma_start3A_21 : memref<1000x1000xf32, #tpu.memory_space<hbm>>) target(%arg18 : memref<16x1000xf32, #tpu.memory_space<vmem>>) offsets(%dma_start3A_18 : memref<16xi32, #tpu.memory_space<vmem>>) semaphore(%arg22 : memref<!tpu.dma_semaphore, #tpu.memory_space<semaphore_mem>>)
    %scan3A = arith.constant 0 : i32
    %scan3A_22 = arith.constant 0 : i32
    %scan3A_23 = arith.constant 400 : i32
    %scan3A_24 = arith.addi %scan3A_22, %scan3A_23 : i32
    %scan3A_25 = arith.constant 1 : i32
    scf.for %scan3A_48 = %scan3A_22 to %scan3A_24 step %scan3A_25  : i32 {
      %mul3A_49 = arith.constant 16 : i32
      %mul3A_50 = arith.muli %scan3A_48, %mul3A_49 : i32
      %get3A = arith.index_cast %mul3A_50 : i32 to index
      %get3A_51 = tpu.vector_load %arg9[%get3A] {strides = array<i32>} : memref<6400xi32, #tpu.memory_space<vmem>>, vector<16xi32>,
      %mul3A_52 = arith.constant 1000 : i32
      %mul3A_53 = vector.broadcast %mul3A_52 : i32 to vector<16xi32>
      %mul3A_54 = arith.muli %get3A_51, %mul3A_53 : vector<16xi32>
      %mul3A_55 = arith.constant 16 : i32
      %mul3A_56 = arith.muli %scan3A_48, %mul3A_55 : i32
      %get3A_57 = arith.index_cast %mul3A_56 : i32 to index
      %get3A_58 = tpu.vector_load %arg10[%get3A_57] {strides = array<i32>} : memref<6400xi32, #tpu.memory_space<vmem>>, vector<16xi32>,
      %add3A_59 = arith.addi %mul3A_54, %get3A_58 : vector<16xi32>
      %mul3A_60 = arith.constant 16 : i32
      %mul3A_61 = arith.muli %scan3A_48, %mul3A_60 : i32
      %swap3A_62 = arith.index_cast %mul3A_61 : i32 to index
      %swap3A_63 = tpu.vector_load %arg11[%swap3A_62] {strides = array<i32>} : memref<6400xi32, #tpu.memory_space<vmem>>, vector<16xi32>,
      tpu.vector_store %arg11[%swap3A_62], %add3A_59 {strides = array<i32>} : memref<6400xi32, #tpu.memory_space<vmem>>, vector<16xi32>,
    }
    %scan3A_26 = arith.constant 400 : i32
    %dma_start3A_27 = arith.constant 0 : i32
    %dma_start3A_28 = tpu.memref_slice %arg6[%dma_start3A_27] : memref<1000000xf32, #tpu.memory_space<hbm>> -> memref<1000000xf32, #tpu.memory_space<hbm>>
    tpu.enqueue_indirect_dma source(%dma_start3A_28 : memref<1000000xf32, #tpu.memory_space<hbm>>) target(%arg12 : memref<6400xf32, #tpu.memory_space<vmem>>) offsets(%arg11 : memref<6400xi32, #tpu.memory_space<vmem>>) semaphore(%arg23 : memref<!tpu.dma_semaphore, #tpu.memory_space<semaphore_mem>>)
    %dma_start3A_29 = arith.constant 0 : i32
    %dma_start3A_30 = tpu.memref_slice %arg4[%dma_start3A_29] : memref<1000xf32, #tpu.memory_space<hbm>> -> memref<1000xf32, #tpu.memory_space<hbm>>
    tpu.enqueue_indirect_dma source(%dma_start3A_30 : memref<1000xf32, #tpu.memory_space<hbm>>) target(%arg13 : memref<6400xf32, #tpu.memory_space<vmem>>) offsets(%arg9 : memref<6400xi32, #tpu.memory_space<vmem>>) semaphore(%arg24 : memref<!tpu.dma_semaphore, #tpu.memory_space<semaphore_mem>>)
    %scan3A_31 = arith.constant 0 : i32
    %scan3A_32 = arith.constant 0 : i32
    %scan3A_33 = arith.constant 100 : i32
    %scan3A_34 = arith.addi %scan3A_32, %scan3A_33 : i32
    %scan3A_35 = arith.constant 1 : i32
    scf.for %scan3A_48 = %scan3A_32 to %scan3A_34 step %scan3A_35  : i32 {
      %mul3A_49 = arith.constant 4 : i32
      %mul3A_50 = arith.muli %scan3A_48, %mul3A_49 : i32
      %add3A_51 = arith.constant 0 : i32
      %add3A_52 = arith.addi %mul3A_50, %add3A_51 : i32
      %mul3A_53 = arith.constant 16 : i32
      %mul3A_54 = arith.muli %add3A_52, %mul3A_53 : i32
      %dma_wait3A_55 = tpu.memref_slice %arg9[%mul3A_54] : memref<6400xi32, #tpu.memory_space<vmem>> -> memref<16xi32, #tpu.memory_space<vmem>>
      %dma_wait3A_56 = arith.constant 0 : i32
      %dma_wait3A_57 = arith.constant 0 : i32
      %dma_wait3A_58 = tpu.memref_slice %arg5[%dma_wait3A_56, %dma_wait3A_57] : memref<1000x1000xf32, #tpu.memory_space<hbm>> -> memref<1000x1000xf32, #tpu.memory_space<hbm>>
      tpu.wait_indirect_dma semaphore(%arg19 : memref<!tpu.dma_semaphore, #tpu.memory_space<semaphore_mem>>) src(%dma_wait3A_58 : memref<1000x1000xf32, #tpu.memory_space<hbm>>) dst(%arg15 : memref<16x1000xf32, #tpu.memory_space<vmem>>)
      %mul3A_59 = arith.constant 16 : i32
      %mul3A_60 = arith.muli %add3A_52, %mul3A_59 : i32
      %add3A_61 = arith.addi %mul3A_2, %mul3A_60 : i32
      "tpu.region"() ({
        %run_scoped3A = tpu.sem_alloc : memref<!tpu.dma_semaphore, #tpu.memory_space<semaphore_mem>>
        %dma_start3A_126 = arith.constant 0 : i32
        %dma_start3A_127 = tpu.memref_slice %arg7[%add3A_61, %dma_start3A_126] : memref<204800x1000xf32, #tpu.memory_space<hbm>> -> memref<16x1000xf32, #tpu.memory_space<hbm>>
        %dma_start3A_128 = arith.constant 0 : i32
        %dma_start3A_129 = tpu.memref_slice %arg7[%add3A_61, %dma_start3A_128] : memref<204800x1000xf32, #tpu.memory_space<hbm>> -> memref<16x1000xf32, #tpu.memory_space<hbm>>
        tpu.enqueue_dma source(%arg15 : memref<16x1000xf32, #tpu.memory_space<vmem>>) target(%dma_start3A_129 : memref<16x1000xf32, #tpu.memory_space<hbm>>) target_semaphore(%run_scoped3A : memref<!tpu.dma_semaphore, #tpu.memory_space<semaphore_mem>>)
        %dma_wait3A_130 = arith.constant 0 : i32
        %dma_wait3A_131 = tpu.memref_slice %arg7[%add3A_61, %dma_wait3A_130] : memref<204800x1000xf32, #tpu.memory_space<hbm>> -> memref<16x1000xf32, #tpu.memory_space<hbm>>
        %dma_wait3A_132 = arith.constant 0 : i32
        %dma_wait3A_133 = tpu.memref_slice %arg7[%add3A_61, %dma_wait3A_132] : memref<204800x1000xf32, #tpu.memory_space<hbm>> -> memref<16x1000xf32, #tpu.memory_space<hbm>>
        tpu.wait_dma2 semaphore(%run_scoped3A : memref<!tpu.dma_semaphore, #tpu.memory_space<semaphore_mem>>) src(%arg15 : memref<16x1000xf32, #tpu.memory_space<vmem>>) dst(%dma_wait3A_133 : memref<16x1000xf32, #tpu.memory_space<hbm>>)
        tpu.yield
      }) : () -> ()
      %add3A_62 = arith.constant 4 : i32
      %add3A_63 = arith.addi %add3A_52, %add3A_62 : i32
      %lt3A = arith.constant 400 : i32
      %lt3A_64 = arith.cmpi slt, %add3A_63, %lt3A : i32
      %convert_element_type3A = arith.extui %lt3A_64 : i1 to i32
      %cond3A = arith.constant 0 : i32
      %cond3A_65 = arith.cmpi ne, %convert_element_type3A, %cond3A : i32
      scf.if %cond3A_65 {
        %add3A_126 = arith.constant 4 : i32
        %add3A_127 = arith.addi %add3A_52, %add3A_126 : i32
        %mul3A_128 = arith.constant 16 : i32
        %mul3A_129 = arith.muli %add3A_127, %mul3A_128 : i32
        %dma_start3A_130 = tpu.memref_slice %arg9[%mul3A_129] : memref<6400xi32, #tpu.memory_space<vmem>> -> memref<16xi32, #tpu.memory_space<vmem>>
        %dma_start3A_131 = arith.constant 0 : i32
        %dma_start3A_132 = arith.constant 0 : i32
        %dma_start3A_133 = tpu.memref_slice %arg5[%dma_start3A_131, %dma_start3A_132] : memref<1000x1000xf32, #tpu.memory_space<hbm>> -> memref<1000x1000xf32, #tpu.memory_space<hbm>>
        tpu.enqueue_indirect_dma source(%dma_start3A_133 : memref<1000x1000xf32, #tpu.memory_space<hbm>>) target(%arg15 : memref<16x1000xf32, #tpu.memory_space<vmem>>) offsets(%dma_start3A_130 : memref<16xi32, #tpu.memory_space<vmem>>) semaphore(%arg19 : memref<!tpu.dma_semaphore, #tpu.memory_space<semaphore_mem>>)
      } else {
      }
      %mul3A_66 = arith.constant 4 : i32
      %mul3A_67 = arith.muli %scan3A_48, %mul3A_66 : i32
      %add3A_68 = arith.constant 1 : i32
      %add3A_69 = arith.addi %mul3A_67, %add3A_68 : i32
      %mul3A_70 = arith.constant 16 : i32
      %mul3A_71 = arith.muli %add3A_69, %mul3A_70 : i32
      %dma_wait3A_72 = tpu.memref_slice %arg9[%mul3A_71] : memref<6400xi32, #tpu.memory_space<vmem>> -> memref<16xi32, #tpu.memory_space<vmem>>
      %dma_wait3A_73 = arith.constant 0 : i32
      %dma_wait3A_74 = arith.constant 0 : i32
      %dma_wait3A_75 = tpu.memref_slice %arg5[%dma_wait3A_73, %dma_wait3A_74] : memref<1000x1000xf32, #tpu.memory_space<hbm>> -> memref<1000x1000xf32, #tpu.memory_space<hbm>>
      tpu.wait_indirect_dma semaphore(%arg20 : memref<!tpu.dma_semaphore, #tpu.memory_space<semaphore_mem>>) src(%dma_wait3A_75 : memref<1000x1000xf32, #tpu.memory_space<hbm>>) dst(%arg16 : memref<16x1000xf32, #tpu.memory_space<vmem>>)
      %mul3A_76 = arith.constant 16 : i32
      %mul3A_77 = arith.muli %add3A_69, %mul3A_76 : i32
      %add3A_78 = arith.addi %mul3A_2, %mul3A_77 : i32
      "tpu.region"() ({
        %run_scoped3A = tpu.sem_alloc : memref<!tpu.dma_semaphore, #tpu.memory_space<semaphore_mem>>
        %dma_start3A_126 = arith.constant 0 : i32
        %dma_start3A_127 = tpu.memref_slice %arg7[%add3A_78, %dma_start3A_126] : memref<204800x1000xf32, #tpu.memory_space<hbm>> -> memref<16x1000xf32, #tpu.memory_space<hbm>>
        %dma_start3A_128 = arith.constant 0 : i32
        %dma_start3A_129 = tpu.memref_slice %arg7[%add3A_78, %dma_start3A_128] : memref<204800x1000xf32, #tpu.memory_space<hbm>> -> memref<16x1000xf32, #tpu.memory_space<hbm>>
        tpu.enqueue_dma source(%arg16 : memref<16x1000xf32, #tpu.memory_space<vmem>>) target(%dma_start3A_129 : memref<16x1000xf32, #tpu.memory_space<hbm>>) target_semaphore(%run_scoped3A : memref<!tpu.dma_semaphore, #tpu.memory_space<semaphore_mem>>)
        %dma_wait3A_130 = arith.constant 0 : i32
        %dma_wait3A_131 = tpu.memref_slice %arg7[%add3A_78, %dma_wait3A_130] : memref<204800x1000xf32, #tpu.memory_space<hbm>> -> memref<16x1000xf32, #tpu.memory_space<hbm>>
        %dma_wait3A_132 = arith.constant 0 : i32
        %dma_wait3A_133 = tpu.memref_slice %arg7[%add3A_78, %dma_wait3A_132] : memref<204800x1000xf32, #tpu.memory_space<hbm>> -> memref<16x1000xf32, #tpu.memory_space<hbm>>
        tpu.wait_dma2 semaphore(%run_scoped3A : memref<!tpu.dma_semaphore, #tpu.memory_space<semaphore_mem>>) src(%arg16 : memref<16x1000xf32, #tpu.memory_space<vmem>>) dst(%dma_wait3A_133 : memref<16x1000xf32, #tpu.memory_space<hbm>>)
        tpu.yield
      }) : () -> ()
      %add3A_79 = arith.constant 4 : i32
      %add3A_80 = arith.addi %add3A_69, %add3A_79 : i32
      %lt3A_81 = arith.constant 400 : i32
      %lt3A_82 = arith.cmpi slt, %add3A_80, %lt3A_81 : i32
      %convert_element_type3A_83 = arith.extui %lt3A_82 : i1 to i32
      %cond3A_84 = arith.constant 0 : i32
      %cond3A_85 = arith.cmpi ne, %convert_element_type3A_83, %cond3A_84 : i32
      scf.if %cond3A_85 {
        %add3A_126 = arith.constant 4 : i32
        %add3A_127 = arith.addi %add3A_69, %add3A_126 : i32
        %mul3A_128 = arith.constant 16 : i32
        %mul3A_129 = arith.muli %add3A_127, %mul3A_128 : i32
        %dma_start3A_130 = tpu.memref_slice %arg9[%mul3A_129] : memref<6400xi32, #tpu.memory_space<vmem>> -> memref<16xi32, #tpu.memory_space<vmem>>
        %dma_start3A_131 = arith.constant 0 : i32
        %dma_start3A_132 = arith.constant 0 : i32
        %dma_start3A_133 = tpu.memref_slice %arg5[%dma_start3A_131, %dma_start3A_132] : memref<1000x1000xf32, #tpu.memory_space<hbm>> -> memref<1000x1000xf32, #tpu.memory_space<hbm>>
        tpu.enqueue_indirect_dma source(%dma_start3A_133 : memref<1000x1000xf32, #tpu.memory_space<hbm>>) target(%arg16 : memref<16x1000xf32, #tpu.memory_space<vmem>>) offsets(%dma_start3A_130 : memref<16xi32, #tpu.memory_space<vmem>>) semaphore(%arg20 : memref<!tpu.dma_semaphore, #tpu.memory_space<semaphore_mem>>)
      } else {
      }
      %mul3A_86 = arith.constant 4 : i32
      %mul3A_87 = arith.muli %scan3A_48, %mul3A_86 : i32
      %add3A_88 = arith.constant 2 : i32
      %add3A_89 = arith.addi %mul3A_87, %add3A_88 : i32
      %mul3A_90 = arith.constant 16 : i32
      %mul3A_91 = arith.muli %add3A_89, %mul3A_90 : i32
      %dma_wait3A_92 = tpu.memref_slice %arg9[%mul3A_91] : memref<6400xi32, #tpu.memory_space<vmem>> -> memref<16xi32, #tpu.memory_space<vmem>>
      %dma_wait3A_93 = arith.constant 0 : i32
      %dma_wait3A_94 = arith.constant 0 : i32
      %dma_wait3A_95 = tpu.memref_slice %arg5[%dma_wait3A_93, %dma_wait3A_94] : memref<1000x1000xf32, #tpu.memory_space<hbm>> -> memref<1000x1000xf32, #tpu.memory_space<hbm>>
      tpu.wait_indirect_dma semaphore(%arg21 : memref<!tpu.dma_semaphore, #tpu.memory_space<semaphore_mem>>) src(%dma_wait3A_95 : memref<1000x1000xf32, #tpu.memory_space<hbm>>) dst(%arg17 : memref<16x1000xf32, #tpu.memory_space<vmem>>)
      %mul3A_96 = arith.constant 16 : i32
      %mul3A_97 = arith.muli %add3A_89, %mul3A_96 : i32
      %add3A_98 = arith.addi %mul3A_2, %mul3A_97 : i32
      "tpu.region"() ({
        %run_scoped3A = tpu.sem_alloc : memref<!tpu.dma_semaphore, #tpu.memory_space<semaphore_mem>>
        %dma_start3A_126 = arith.constant 0 : i32
        %dma_start3A_127 = tpu.memref_slice %arg7[%add3A_98, %dma_start3A_126] : memref<204800x1000xf32, #tpu.memory_space<hbm>> -> memref<16x1000xf32, #tpu.memory_space<hbm>>
        %dma_start3A_128 = arith.constant 0 : i32
        %dma_start3A_129 = tpu.memref_slice %arg7[%add3A_98, %dma_start3A_128] : memref<204800x1000xf32, #tpu.memory_space<hbm>> -> memref<16x1000xf32, #tpu.memory_space<hbm>>
        tpu.enqueue_dma source(%arg17 : memref<16x1000xf32, #tpu.memory_space<vmem>>) target(%dma_start3A_129 : memref<16x1000xf32, #tpu.memory_space<hbm>>) target_semaphore(%run_scoped3A : memref<!tpu.dma_semaphore, #tpu.memory_space<semaphore_mem>>)
        %dma_wait3A_130 = arith.constant 0 : i32
        %dma_wait3A_131 = tpu.memref_slice %arg7[%add3A_98, %dma_wait3A_130] : memref<204800x1000xf32, #tpu.memory_space<hbm>> -> memref<16x1000xf32, #tpu.memory_space<hbm>>
        %dma_wait3A_132 = arith.constant 0 : i32
        %dma_wait3A_133 = tpu.memref_slice %arg7[%add3A_98, %dma_wait3A_132] : memref<204800x1000xf32, #tpu.memory_space<hbm>> -> memref<16x1000xf32, #tpu.memory_space<hbm>>
        tpu.wait_dma2 semaphore(%run_scoped3A : memref<!tpu.dma_semaphore, #tpu.memory_space<semaphore_mem>>) src(%arg17 : memref<16x1000xf32, #tpu.memory_space<vmem>>) dst(%dma_wait3A_133 : memref<16x1000xf32, #tpu.memory_space<hbm>>)
        tpu.yield
      }) : () -> ()
      %add3A_99 = arith.constant 4 : i32
      %add3A_100 = arith.addi %add3A_89, %add3A_99 : i32
      %lt3A_101 = arith.constant 400 : i32
      %lt3A_102 = arith.cmpi slt, %add3A_100, %lt3A_101 : i32
      %convert_element_type3A_103 = arith.extui %lt3A_102 : i1 to i32
      %cond3A_104 = arith.constant 0 : i32
      %cond3A_105 = arith.cmpi ne, %convert_element_type3A_103, %cond3A_104 : i32
      scf.if %cond3A_105 {
        %add3A_126 = arith.constant 4 : i32
        %add3A_127 = arith.addi %add3A_89, %add3A_126 : i32
        %mul3A_128 = arith.constant 16 : i32
        %mul3A_129 = arith.muli %add3A_127, %mul3A_128 : i32
        %dma_start3A_130 = tpu.memref_slice %arg9[%mul3A_129] : memref<6400xi32, #tpu.memory_space<vmem>> -> memref<16xi32, #tpu.memory_space<vmem>>
        %dma_start3A_131 = arith.constant 0 : i32
        %dma_start3A_132 = arith.constant 0 : i32
        %dma_start3A_133 = tpu.memref_slice %arg5[%dma_start3A_131, %dma_start3A_132] : memref<1000x1000xf32, #tpu.memory_space<hbm>> -> memref<1000x1000xf32, #tpu.memory_space<hbm>>
        tpu.enqueue_indirect_dma source(%dma_start3A_133 : memref<1000x1000xf32, #tpu.memory_space<hbm>>) target(%arg17 : memref<16x1000xf32, #tpu.memory_space<vmem>>) offsets(%dma_start3A_130 : memref<16xi32, #tpu.memory_space<vmem>>) semaphore(%arg21 : memref<!tpu.dma_semaphore, #tpu.memory_space<semaphore_mem>>)
      } else {
      }
      %mul3A_106 = arith.constant 4 : i32
      %mul3A_107 = arith.muli %scan3A_48, %mul3A_106 : i32
      %add3A_108 = arith.constant 3 : i32
      %add3A_109 = arith.addi %mul3A_107, %add3A_108 : i32
      %mul3A_110 = arith.constant 16 : i32
      %mul3A_111 = arith.muli %add3A_109, %mul3A_110 : i32
      %dma_wait3A_112 = tpu.memref_slice %arg9[%mul3A_111] : memref<6400xi32, #tpu.memory_space<vmem>> -> memref<16xi32, #tpu.memory_space<vmem>>
      %dma_wait3A_113 = arith.constant 0 : i32
      %dma_wait3A_114 = arith.constant 0 : i32
      %dma_wait3A_115 = tpu.memref_slice %arg5[%dma_wait3A_113, %dma_wait3A_114] : memref<1000x1000xf32, #tpu.memory_space<hbm>> -> memref<1000x1000xf32, #tpu.memory_space<hbm>>
      tpu.wait_indirect_dma semaphore(%arg22 : memref<!tpu.dma_semaphore, #tpu.memory_space<semaphore_mem>>) src(%dma_wait3A_115 : memref<1000x1000xf32, #tpu.memory_space<hbm>>) dst(%arg18 : memref<16x1000xf32, #tpu.memory_space<vmem>>)
      %mul3A_116 = arith.constant 16 : i32
      %mul3A_117 = arith.muli %add3A_109, %mul3A_116 : i32
      %add3A_118 = arith.addi %mul3A_2, %mul3A_117 : i32
      "tpu.region"() ({
        %run_scoped3A = tpu.sem_alloc : memref<!tpu.dma_semaphore, #tpu.memory_space<semaphore_mem>>
        %dma_start3A_126 = arith.constant 0 : i32
        %dma_start3A_127 = tpu.memref_slice %arg7[%add3A_118, %dma_start3A_126] : memref<204800x1000xf32, #tpu.memory_space<hbm>> -> memref<16x1000xf32, #tpu.memory_space<hbm>>
        %dma_start3A_128 = arith.constant 0 : i32
        %dma_start3A_129 = tpu.memref_slice %arg7[%add3A_118, %dma_start3A_128] : memref<204800x1000xf32, #tpu.memory_space<hbm>> -> memref<16x1000xf32, #tpu.memory_space<hbm>>
        tpu.enqueue_dma source(%arg18 : memref<16x1000xf32, #tpu.memory_space<vmem>>) target(%dma_start3A_129 : memref<16x1000xf32, #tpu.memory_space<hbm>>) target_semaphore(%run_scoped3A : memref<!tpu.dma_semaphore, #tpu.memory_space<semaphore_mem>>)
        %dma_wait3A_130 = arith.constant 0 : i32
        %dma_wait3A_131 = tpu.memref_slice %arg7[%add3A_118, %dma_wait3A_130] : memref<204800x1000xf32, #tpu.memory_space<hbm>> -> memref<16x1000xf32, #tpu.memory_space<hbm>>
        %dma_wait3A_132 = arith.constant 0 : i32
        %dma_wait3A_133 = tpu.memref_slice %arg7[%add3A_118, %dma_wait3A_132] : memref<204800x1000xf32, #tpu.memory_space<hbm>> -> memref<16x1000xf32, #tpu.memory_space<hbm>>
        tpu.wait_dma2 semaphore(%run_scoped3A : memref<!tpu.dma_semaphore, #tpu.memory_space<semaphore_mem>>) src(%arg18 : memref<16x1000xf32, #tpu.memory_space<vmem>>) dst(%dma_wait3A_133 : memref<16x1000xf32, #tpu.memory_space<hbm>>)
        tpu.yield
      }) : () -> ()
      %add3A_119 = arith.constant 4 : i32
      %add3A_120 = arith.addi %add3A_109, %add3A_119 : i32
      %lt3A_121 = arith.constant 400 : i32
      %lt3A_122 = arith.cmpi slt, %add3A_120, %lt3A_121 : i32
      %convert_element_type3A_123 = arith.extui %lt3A_122 : i1 to i32
      %cond3A_124 = arith.constant 0 : i32
      %cond3A_125 = arith.cmpi ne, %convert_element_type3A_123, %cond3A_124 : i32
      scf.if %cond3A_125 {
        %add3A_126 = arith.constant 4 : i32
        %add3A_127 = arith.addi %add3A_109, %add3A_126 : i32
        %mul3A_128 = arith.constant 16 : i32
        %mul3A_129 = arith.muli %add3A_127, %mul3A_128 : i32
        %dma_start3A_130 = tpu.memref_slice %arg9[%mul3A_129] : memref<6400xi32, #tpu.memory_space<vmem>> -> memref<16xi32, #tpu.memory_space<vmem>>
        %dma_start3A_131 = arith.constant 0 : i32
        %dma_start3A_132 = arith.constant 0 : i32
        %dma_start3A_133 = tpu.memref_slice %arg5[%dma_start3A_131, %dma_start3A_132] : memref<1000x1000xf32, #tpu.memory_space<hbm>> -> memref<1000x1000xf32, #tpu.memory_space<hbm>>
        tpu.enqueue_indirect_dma source(%dma_start3A_133 : memref<1000x1000xf32, #tpu.memory_space<hbm>>) target(%arg18 : memref<16x1000xf32, #tpu.memory_space<vmem>>) offsets(%dma_start3A_130 : memref<16xi32, #tpu.memory_space<vmem>>) semaphore(%arg22 : memref<!tpu.dma_semaphore, #tpu.memory_space<semaphore_mem>>)
      } else {
      }
    }
    %scan3A_36 = arith.constant 100 : i32
    %dma_wait3A = arith.constant 0 : i32
    %dma_wait3A_37 = tpu.memref_slice %arg6[%dma_wait3A] : memref<1000000xf32, #tpu.memory_space<hbm>> -> memref<1000000xf32, #tpu.memory_space<hbm>>
    tpu.wait_indirect_dma semaphore(%arg23 : memref<!tpu.dma_semaphore, #tpu.memory_space<semaphore_mem>>) src(%dma_wait3A_37 : memref<1000000xf32, #tpu.memory_space<hbm>>) dst(%arg12 : memref<6400xf32, #tpu.memory_space<vmem>>)
    %dma_wait3A_38 = arith.constant 0 : i32
    %dma_wait3A_39 = tpu.memref_slice %arg4[%dma_wait3A_38] : memref<1000xf32, #tpu.memory_space<hbm>> -> memref<1000xf32, #tpu.memory_space<hbm>>
    tpu.wait_indirect_dma semaphore(%arg24 : memref<!tpu.dma_semaphore, #tpu.memory_space<semaphore_mem>>) src(%dma_wait3A_39 : memref<1000xf32, #tpu.memory_space<hbm>>) dst(%arg13 : memref<6400xf32, #tpu.memory_space<vmem>>)
    %broadcast_in_dim3A = arith.constant 0.000000e+00 : f32
    %broadcast_in_dim3A_40 = vector.broadcast %broadcast_in_dim3A : f32 to vector<16xf32>
    %scan3A_41 = arith.constant 0 : i32
    %scan3A_42 = arith.constant 400 : i32
    %scan3A_43 = arith.addi %scan3A_41, %scan3A_42 : i32
    %scan3A_44 = arith.constant 1 : i32
    %scan3A_45 = scf.for %scan3A_48 = %scan3A_41 to %scan3A_43 step %scan3A_44 iter_args(%scan3A_49 = %broadcast_in_dim3A_40) -> (vector<16xf32>)  : i32 {
      %mul3A_50 = arith.constant 16 : i32
      %mul3A_51 = arith.muli %scan3A_48, %mul3A_50 : i32
      %get3A = arith.index_cast %mul3A_51 : i32 to index
      %get3A_52 = tpu.vector_load %arg13[%get3A] {strides = array<i32>} : memref<6400xf32, #tpu.memory_space<vmem>>, vector<16xf32>,
      %mul3A_53 = arith.constant 16 : i32
      %mul3A_54 = arith.muli %scan3A_48, %mul3A_53 : i32
      %get3A_55 = arith.index_cast %mul3A_54 : i32 to index
      %get3A_56 = tpu.vector_load %arg12[%get3A_55] {strides = array<i32>} : memref<6400xf32, #tpu.memory_space<vmem>>, vector<16xf32>,
      %sub3A = arith.subf %get3A_52, %get3A_56 : vector<16xf32>
      %add3A_57 = arith.addf %scan3A_49, %sub3A : vector<16xf32>
      scf.yield %add3A_57 : vector<16xf32>
    }
    %scan3A_46 = arith.constant 400 : i32
    %swap3A = arith.constant 0 : index
    %swap3A_47 = tpu.vector_load %arg14[%swap3A] {strides = array<i32>} : memref<16xf32, #tpu.memory_space<vmem>>, vector<16xf32>,
    tpu.vector_store %arg14[%swap3A], %scan3A_45 {strides = array<i32>} : memref<16xf32, #tpu.memory_space<vmem>>, vector<16xf32>,
    "tpu.region"() ({
      %run_scoped3A = tpu.sem_alloc : memref<!tpu.dma_semaphore, #tpu.memory_space<semaphore_mem>>
      %dma_start3A_48 = arith.constant 0 : i32
      %dma_start3A_49 = tpu.memref_slice %arg8[%add3A, %dma_start3A_48] : memref<32x16xf32, #tpu.memory_space<hbm>> -> memref<1x16xf32, #tpu.memory_space<hbm>>
      %dma_start3A_50 = tpu.memref_squeeze %dma_start3A_49 : memref<1x16xf32, #tpu.memory_space<hbm>> -> memref<16xf32, #tpu.memory_space<hbm>>
      %dma_start3A_51 = arith.constant 0 : i32
      %dma_start3A_52 = tpu.memref_slice %arg8[%add3A, %dma_start3A_51] : memref<32x16xf32, #tpu.memory_space<hbm>> -> memref<1x16xf32, #tpu.memory_space<hbm>>
      %dma_start3A_53 = tpu.memref_squeeze %dma_start3A_52 : memref<1x16xf32, #tpu.memory_space<hbm>> -> memref<16xf32, #tpu.memory_space<hbm>>
      tpu.enqueue_dma source(%arg14 : memref<16xf32, #tpu.memory_space<vmem>>) target(%dma_start3A_53 : memref<16xf32, #tpu.memory_space<hbm>>) target_semaphore(%run_scoped3A : memref<!tpu.dma_semaphore, #tpu.memory_space<semaphore_mem>>)
      %dma_wait3A_54 = arith.constant 0 : i32
      %dma_wait3A_55 = tpu.memref_slice %arg8[%add3A, %dma_wait3A_54] : memref<32x16xf32, #tpu.memory_space<hbm>> -> memref<1x16xf32, #tpu.memory_space<hbm>>
      %dma_wait3A_56 = tpu.memref_squeeze %dma_wait3A_55 : memref<1x16xf32, #tpu.memory_space<hbm>> -> memref<16xf32, #tpu.memory_space<hbm>>
      %dma_wait3A_57 = arith.constant 0 : i32
      %dma_wait3A_58 = tpu.memref_slice %arg8[%add3A, %dma_wait3A_57] : memref<32x16xf32, #tpu.memory_space<hbm>> -> memref<1x16xf32, #tpu.memory_space<hbm>>
      %dma_wait3A_59 = tpu.memref_squeeze %dma_wait3A_58 : memref<1x16xf32, #tpu.memory_space<hbm>> -> memref<16xf32, #tpu.memory_space<hbm>>
      tpu.wait_dma2 semaphore(%run_scoped3A : memref<!tpu.dma_semaphore, #tpu.memory_space<semaphore_mem>>) src(%arg14 : memref<16xf32, #tpu.memory_space<vmem>>) dst(%dma_wait3A_59 : memref<16xf32, #tpu.memory_space<hbm>>)
      tpu.yield
    }) : () -> ()
    return
  }
}

module attributes {stable_mosaic.version = 14 : i64} {
  func.func @_lse_body(%arg0: memref<1000x1024xf32, #tpu.memory_space<vmem>>, %arg1: memref<1000x128xf32, #tpu.memory_space<vmem>>, %arg2: memref<1000x1000xf32, #tpu.memory_space<vmem>>) attributes {dimension_semantics = [], scalar_prefetch = 0 : i64, scratch_operands = 0 : i64, tpu.core_type = #tpu.core_type<tc>} {
    %get3A = arith.constant 0 : index
    %get3A_0 = arith.constant 0 : index
    %get3A_1 = vector.load %arg0[%get3A, %get3A_0] : memref<1000x1024xf32, #tpu.memory_space<vmem>>, vector<1000x1024xf32>
    %reduce_max3A = arith.constant dense<0xFF800000> : vector<1000xf32>
    %reduce_max3A_2 = vector.multi_reduction <maximumf>, %get3A_1, %reduce_max3A [1] : vector<1000x1024xf32> to vector<1000xf32>
    %broadcast_in_dim3A = vector.shape_cast %reduce_max3A_2 : vector<1000xf32> to vector<1000x1xf32>
    %sub3A = vector.broadcast %broadcast_in_dim3A : vector<1000x1xf32> to vector<1000x1024xf32>
    %sub3A_3 = arith.subf %get3A_1, %sub3A : vector<1000x1024xf32>
    %exp3A = math.exp %sub3A_3 : vector<1000x1024xf32>
    %reduce_sum3A = arith.constant dense<0.000000e+00> : vector<1000xf32>
    %reduce_sum3A_4 = vector.multi_reduction <add>, %exp3A, %reduce_sum3A [1] : vector<1000x1024xf32> to vector<1000xf32>
    %broadcast_in_dim3A_5 = vector.shape_cast %reduce_sum3A_4 : vector<1000xf32> to vector<1000x1xf32>
    %log3A = math.log %broadcast_in_dim3A_5 : vector<1000x1xf32>
    %add3A = arith.addf %broadcast_in_dim3A, %log3A : vector<1000x1xf32>
    %broadcast_in_dim3A_6 = vector.shape_cast %add3A : vector<1000x1xf32> to vector<1000x1xf32>
    %broadcast_in_dim3A_7 = vector.broadcast %broadcast_in_dim3A_6 : vector<1000x1xf32> to vector<1000x128xf32>
    %swap3A = arith.constant 0 : index
    %swap3A_8 = arith.constant 0 : index
    %swap3A_9 = vector.load %arg1[%swap3A, %swap3A_8] : memref<1000x128xf32, #tpu.memory_space<vmem>>, vector<1000x128xf32>
    tpu.vector_store %arg1[%swap3A, %swap3A_8], %broadcast_in_dim3A_7 {strides = array<i32>} : memref<1000x128xf32, #tpu.memory_space<vmem>>, vector<1000x128xf32>,
    %slice3A = vector.extract_strided_slice %get3A_1 {offsets = [0, 0], sizes = [1000, 1000], strides = [1, 1]} : vector<1000x1024xf32> to vector<1000x1000xf32>
    %swap3A_10 = arith.constant 0 : index
    %swap3A_11 = arith.constant 0 : index
    %swap3A_12 = vector.load %arg2[%swap3A_10, %swap3A_11] : memref<1000x1000xf32, #tpu.memory_space<vmem>>, vector<1000x1000xf32>
    tpu.vector_store %arg2[%swap3A_10, %swap3A_11], %slice3A {strides = array<i32>} : memref<1000x1000xf32, #tpu.memory_space<vmem>>, vector<1000x1000xf32>,
    return
  }
}

</mosaic_0001>

<sc_bundles>
// kernel: kernel.4.cloned.1.call-start
scs
__scs_entry_jumppad:
0x0: {  	(pc) =	sbr.rel $0x88, $3  }
0x1: {  	(tag) =	ssettag $0x0;
	lr =	simm.s32 $0x1  }
0x2: {  	[smem:$0x3F9E] =	sst lr;
	_ =	strace $0xD0000000  }
0x3: {  	_ = 	snop  }
0x4: {  	_ = 	snop  }
0x5: {  	_ = 	snop  }
0x6: {  	_ = 	snop  }
0x7: {  	_ = 	snop  }
__scs_overlays_trampoline_lowered:
0x8: {  	[smem:$0x3FAD] =	sst s0  }
0x9: {  	[smem:$0x3FAE] =	sst s1  }
0xa: {  	[smem:$0x3FAF] =	sst s2  }
0xb: {  	[smem:$0x3FB0] =	sst s3  }
0xc: {  	[smem:$0x3FB1] =	sst s4  }
0xd: {  	[smem:$0x3FB2] =	sst s5  }
0xe: {  	[smem:$0x3FB3] =	sst s6  }
0xf: {  	[smem:$0x3FB4] =	sst s7  }
0x10: {  	[smem:$0x3FB5] =	sst s8  }
0x11: {  	[smem:$0x3FB6] =	sst s9;
	s0 =	simm.s32 @!p0 $0x0  }
0x12: {  	s1 =	sld [smem:$0x3F9C];
	s0 =	simm.s32 @p0 $0x1  }
0x13: {  	[smem:$0x3FB7] =	sst s0;
	s0 =	simm.s32 @!p1 $0x0  }
0x14: {  	s2 =	sld [smem:$0x3F9B];
	s0 =	simm.s32 @p1 $0x1  }
0x15: {  	[smem:$0x3FB8] =	sst s0;
	s0 =	simm.s32 @!p2 $0x0  }
0x16: {  	s3 =	sld [smem:$0x3FDB];
	s0 =	simm.s32 @p2 $0x1  }
0x17: {  	s4 =	simm.s32 $0x1BF5;
	[smem:$0x3FBA] =	sst s0  }
0x18: {  	s0 =	sld [smem:$0x3F9D];
	_ =	swait.ge [sflag:s4], $0x0  }
0x19: {  	s7 =	sld [smem:$0x3F9E]  }
0x1a: {  	s8 =	sadd.s32 $0xFFFFE003, lr  }
0x1b: {  	s9 =	sadd.s32 $0xFFFFFEF7, lr;
	s5 =	simm.s32 $0xFFFFFFFF;
	p2 =	slt.u32 s8, $0xFFFFF086  }
0x1c: {  	p1 =	slt.u32 s9, $0xF7A;
	s5 =	simm.s32 @!p2 $0x0  }
0x1d: {  	s5 =	simm.s32 @p1 $0x1;
	p0 =	seq.s32 s7, s2  }
0x1e: {  	s7 =	smul.u32 @!p0 $0xF7A, s2;
	p2 =	seq.s32 @!p0 s5, $0x0  }
0x1f: {  	s9 =	smul.u32 $0xF7A, s1;
	s8 =	simm.s32 @!p0 $0x1BF5;
	p2 =	por !p2, p0  }
0x20: {  	[sflag:s8] =	ssyncset.s32 @!p0 $0xFFFFF086;
	s6 =	sadd.s32 @!p0 s3, s7;
	s7 =	simm.s32 @!p0 $0x108  }
0x21: {  	s3 =	sadd.s32 s3, s9;
	s6 =	sadd.s32 @!p0 $0x88, s6;
	s7 =	simm.s32 @p2 $0x1082  }
0x22: {  	[simem:s7], [sflag:s8] =	dma.local @!p0 [hbm:s6], $0xF7A  }
0x23: {  	s9 =	sor.u32 $0xD0000000, s2;
	s6 =	simm.s32 $0x108;
	_ =	swait.ge @!p0 [sflag:s8], $0x0  }
0x24: {  	s3 =	sadd.s32 $0x88, s3;
	s6 =	simm.s32 @!p1 $0x1082;
	[sflag:s4] =	ssyncset.s32 $0xFFFFF086  }
0x25: {  	[simem:s6], [sflag:s4] =	dma.local [hbm:s3], $0xF7A  }
0x26: {  	[smem:$0x3F9E] =	sst s1;
	(tag) =	ssettag s2;
	_ =	strace s9  }
0x27: {  	s1 =	sld [smem:$0x3FAE]  }
0x28: {  	s2 =	sld [smem:$0x3FAF]  }
0x29: {  	s4 =	sld [smem:$0x3FB1]  }
0x2a: {  	p0 =	seq.s32 s5, $0x0;
	s5 =	sld [smem:$0x3FB2]  }
0x2b: {  	s6 =	sld [smem:$0x3FB3]  }
0x2c: {  	s7 =	sld [smem:$0x3FB4]  }
0x2d: {  	s3 =	simm.s32 $0x108;
	s8 =	sld [smem:$0x3FB5]  }
0x2e: {  	s3 =	simm.s32 @!p0 $0x1082;
	s9 =	sld [smem:$0x3FB6]  }
0x2f: {  	lr =	sadd.s32 s0, s3;
	s0 =	sld [smem:$0x3FAD]  }
0x30: {  	s3 =	sld [smem:$0x3FB0]  }
0x31: {  	[smem:$0x3FB9] =	sst s10  }
0x32: {  	s10 =	sld [smem:$0x3FB7];
	_ =	sdelay $0x3  }
0x33: {  	p0 =	seq.s32 s10, $0x1;
	s10 =	sld [smem:$0x3FB9];
	_ =	sdelay $0x3  }
0x34: {  	[smem:$0x3FB9] =	sst s10  }
0x35: {  	s10 =	sld [smem:$0x3FB8];
	_ =	sdelay $0x3  }
0x36: {  	p1 =	seq.s32 s10, $0x1;
	s10 =	sld [smem:$0x3FB9];
	_ =	sdelay $0x3  }
0x37: {  	[smem:$0x3FB9] =	sst s10  }
0x38: {  	s10 =	sld [smem:$0x3FBA]  }
0x39: {  	_ = 	snop;
	(pc) =	sbr.ind lr, $3  }
0x3a: {  	_ = 	snop  }
0x3b: {  	_ = 	snop  }
0x3c: {  	p2 =	seq.s32 s10, $0x1;
	s10 =	sld [smem:$0x3FB9]  }
0x3d: {  	_ =	shalt  }
0x3e: {  	_ =	shalt  }
0x3f: {  	_ =	shalt  }
0x40: {  	_ =	shalt  }
0x41: {  	_ =	shalt  }
0x42: {  	_ =	shalt  }
0x43: {  	_ =	shalt  }
0x44: {  	_ =	shalt  }
0x45: {  	_ =	shalt  }
0x46: {  	_ =	shalt  }
0x47: {  	_ =	shalt  }
0x48: {  	_ =	shalt  }
0x49: {  	_ =	shalt  }
0x4a: {  	_ =	shalt  }
0x4b: {  	_ =	shalt  }
0x4c: {  	_ =	shalt  }
0x4d: {  	_ =	shalt  }
0x4e: {  	_ =	shalt  }
0x4f: {  	_ =	shalt  }
0x50: {  	_ =	shalt  }
0x51: {  	_ =	shalt  }
0x52: {  	_ =	shalt  }
0x53: {  	_ =	shalt  }
0x54: {  	_ =	shalt  }
0x55: {  	_ =	shalt  }
0x56: {  	_ =	shalt  }
0x57: {  	_ =	shalt  }
0x58: {  	_ =	shalt  }
0x59: {  	_ =	shalt  }
0x5a: {  	_ =	shalt  }
0x5b: {  	_ =	shalt  }
0x5c: {  	_ =	shalt  }
0x5d: {  	_ =	shalt  }
0x5e: {  	_ =	shalt  }
0x5f: {  	_ =	shalt  }
0x60: {  	_ =	shalt  }
0x61: {  	_ =	shalt  }
0x62: {  	_ =	shalt  }
0x63: {  	_ =	shalt  }
0x64: {  	_ =	shalt  }
0x65: {  	_ =	shalt  }
0x66: {  	_ =	shalt  }
0x67: {  	_ =	shalt  }
0x68: {  	_ =	shalt  }
0x69: {  	_ =	shalt  }
0x6a: {  	_ =	shalt  }
0x6b: {  	_ =	shalt  }
0x6c: {  	_ =	shalt  }
0x6d: {  	_ =	shalt  }
0x6e: {  	_ =	shalt  }
0x6f: {  	_ =	shalt  }
0x70: {  	_ =	shalt  }
0x71: {  	_ =	shalt  }
0x72: {  	_ =	shalt  }
0x73: {  	_ =	shalt  }
0x74: {  	_ =	shalt  }
0x75: {  	_ =	shalt  }
0x76: {  	_ =	shalt  }
0x77: {  	_ =	shalt  }
0x78: {  	_ =	shalt  }
0x79: {  	_ =	shalt  }
0x7a: {  	_ =	shalt  }
0x7b: {  	_ =	shalt  }
0x7c: {  	_ =	shalt  }
0x7d: {  	_ =	shalt  }
0x7e: {  	_ =	shalt  }
0x7f: {  	_ =	shalt  }
0x80: {  	_ =	shalt  }
0x81: {  	_ =	shalt  }
0x82: {  	_ =	shalt  }
0x83: {  	_ =	shalt  }
0x84: {  	_ =	shalt  }
0x85: {  	_ =	shalt  }
0x86: {  	_ =	shalt  }
0x87: {  	_ =	shalt  }
.Lfunc_end0:
.L_simem_size_0:
called_computation.1_lowered:
.L_overlay_start_0:
0x88: {  	s2 =	sld [smem:$0x3FD9]  }
0x89: {  	s3 =	sld [smem:$0x3FFE];
	_ =	sdelay $0x1  }
0x8a: {  	s1 =	srdreg.scid  }
0x8b: {  	s0 =	sand.u32 $0x1, s1  }
0x8c: {  	s14 =	sshll.u32 s0, $0xA;
	s2 =	sadd.s32 s3, s2  }
0x8d: {  	s2 =	sadd.s32 s2, s14  }
0x8e: {  	[smem:$0x3FC5] =	sst s2  }
0x8f: {  	_ = 	snop  }
0x90: {  	s2 =	sld [smem:$0x3FD0];
	_ =	sdelay $0x2  }
0x91: {  	s15 =	simm.s32 $0xA;
	s4 =	simm.s32 $0x10  }
0x92: {  	[smem:s4], [sflag:s15] =	dma.local [hbm:s2], $0x1  }
0x93: {  	_ =	swait.eq [sflag:s15], $0x1  }
0x94: {  	[sflag:s15] =	ssyncset.done $0x0  }
0x95: {  	[sflag:s15] =	ssyncadd.s32 $0xFFFFFFFF  }
0x96: {  	s16 =	sld [smem:$0x10];
	(tm) =	ssettm $0x1  }
0x97: {  	s17 =	sld [smem:$0x3FFB];
	_ =	sdelay $0x3  }
0x98: {  	_ =	strace s17  }
0x99: {  	s3 =	sld [smem:$0x3FFC];
	_ =	sdelay $0x3  }
0x9a: {  	_ =	strace s3  }
0x9b: {  	s3 =	sld [smem:$0x3FFD];
	_ =	sdelay $0x3  }
0x9c: {  	_ =	strace s3  }
0x9d: {  	_ =	strace $0x8FFFFFFF  }
0x9e: {  	s18 =	sld [smem:$0x3FDB];
	_ =	sdelay $0x1  }
0x9f: {  	s19 =	simm.s32 $_scs_section_size  }
0xa0: {  	s5 =	simm.s32 $_size__tile_overlayer_lowered;
	s6 =	simm.s32 $_tile_overlayer_lowered  }
0xa1: {  	s22 =	simm.s32 $0x1BFF;
	s21 =	sshll.u32 s6, $0x1;
	s3 =	sadd.s32 s19, s18  }
0xa2: {  	s7 =	simm.s32 $0x0;
	s20 =	sshll.u32 s5, $0x1;
	s5 =	sadd.s32 s21, s3  }
0xa3: {  	[timem:s7], [sflag:s22] =	dma.local [hbm:s5], s20  }
0xa4: {  	_ =	swait.ge [sflag:s22], s20  }
0xa5: {  	s4 =	ssub.s32 $0x0, s20;
	[sflag:s22] =	ssyncset.done $0x0  }
0xa6: {  	[sflag:s22] =	ssyncadd.s32 s4;
	_ =	sdelay $0x1  }
0xa7: {  	s23 =	simm.s32 $0x1B8B  }
0xa8: {  	_ =	swait.ge [sflag:s23], $0x1  }
0xa9: {  	[sflag:s23] =	ssyncset.done $0x0  }
0xaa: {  	s25 =	simm.s32 $0x1B8E;
	s24 =	sld [smem:$0x3FFE];
	[sflag:s23] =	ssyncadd.s32 $0xFFFFFFFF  }
0xab: {  	s26 =	simm.s32 $execute0_lowered;
	[smem:$0x3FD2] =	sst s25  }
0xac: {  	s5 =	sshll.u32 s26, $0x1;
	_ =	strace $0x80000046;
	[dreg:$0x1] =	wrdreg $0xFFFFFFFF  }
0xad: {  	s28 =	simm.s32 $_size_execute0_lowered;
	s3 =	sadd.s32 s3, s5;
	[dreg:$0x0] =	wrdreg $0x0  }
0xae: {  	s5 =	sshll.u32 s28, $0x1;
	[dreg:$0x2] =	wrdreg s3  }
0xaf: {  	[dreg:$0x3] =	wrdreg s5  }
0xb0: {  	[dreg:$0x4] =	wrdreg $0xC0  }
0xb1: {  	_ =	task [dreg:s7], $0x5FFFF  }
0xb2: {  	[dreg:$0x1] =	wrdreg $0xFFFFFFFF  }
0xb3: {  	[dreg:$0x0] =	wrdreg $0x60  }
0xb4: {  	[dreg:$0x2] =	wrdreg s24  }
0xb5: {  	[dreg:$0x3] =	wrdreg s16  }
0xb6: {  	[dreg:$0x4] =	wrdreg $0x9  }
0xb7: {  	_ =	task.clear_ibuf [dreg:s7], $0x5FFFF;
	_ =	strace $0x90000046  }
0xb8: {  	s29 =	simm.s32 $0x9;
	_ =	strace $0x80000048  }
0xb9: {  	_ =	swait.ge [sflag:s29], $0x1  }
0xba: {  	[sflag:s29] =	ssyncadd.s32 $0xFFFFFFFF  }
0xbb: {  	_ =	strace $0x90000048  }
0xbc: {  	_ =	sfence  }
0xbd: {  	s30 =	sld [smem:$0x0];
	_ =	sdelay $0x2  }
0xbe: {  	s31 =	sshll.u32 s1, $0xD;
	s1 =	sshrl.u32 s1, $0x2  }
0xbf: {  	s3 =	sand.u32 $0x4000, s31;
	s1 =	sadd.s32 s1, s30  }
0xc0: {  	s0 =	sor.u32 s3, s0;
	s1 =	sshll.u32 s1, $0x11  }
0xc1: {  	s0 =	sor.u32 s1, s0  }
0xc2: {  	s0 =	sadd.s32 $0x8F2B, s0  }
0xc3: {  	[sflag:s0] =	ssyncadd.remote.s32 $0x1  }
0xc4: {  	_ =	sfence.sel $0xFFFF  }
0xc5: {  	[dreg:$0x0] =	wrdreg $0xFFFFFFFF;
	(pc) =	sbr.abs _section_cstart, $3  }
0xc6: {  	[dreg:$0x1] =	wrdreg $0xFFFFFFFF  }
0xc7: {  	_ =	task.clear_ibuf [dreg:s7], $0x2FFFF;
	_ =	strace $0x9FFFFFFF  }
0xc8: {  	(tm) =	ssettm $0x7FFFFFFF  }
0xc9: {  	_ =	shalt  }
tec
execute0_lowered:
.L_overlay_start_1:
0x0: {  	(tag) =	ssettag $0x1  }
0x1: {  	s0 =	srdreg.scid;
	s6 =	rddreg [dreg:$0x0]  }
0x2: {  	s11 =	stileid.u32;
	s14 =	rddreg [dreg:$0x1];
	s2 =	simm.s32 $0x0  }
0x3: {  	s16 =	simm.s32 $0x1900;
	s17 =	simm.s32 $0x10;
	s18 =	simm.s32 $0x7D10  }
0x4: {  	s19 =	simm.s32 $0xBB90;
	s21 =	simm.s32 $0xFA10;
	s23 =	simm.s32 $0x13890  }
0x5: {  	s28 =	simm.s32 $0x1;
	s29 =	simm.s32 $0x2;
	s30 =	simm.s32 $0x3  }
0x6: {  	s31 =	simm.s32 $0x4;
	s22 =	simm.s32 $0x0;
	s0 =	sand.u32 $0x1, s0  }
0x7: {  	s1 =	sshll.u32 s11, $0x1;
	[smem:$0x7FF] =	sst s2;
	s25 =	sadd.s32 $0x2BC00, s6  }
0x8: {  	s4 =	sadd.s32 $0xD200, s6;
	s5 =	sadd.s32 $0x2BE00, s6;
	s15 =	smul.u32 $0x186A00, s11  }
0x9: {  	s1 =	sor.u32 s0, s1;
	s8 =	ssub.s32 $0x2, s0;
	s0 =	smul.u32 $0xC3500, s0  }
0xa: {  	_ =	strace $0x80000047;
	[dreg:$0x3] =	wrdreg s25;
	s3 =	smul.u32 $0x1900, s1  }
0xb: {  	s9 =	sshll.u32 s1, $0x1;
	s10 =	sshrl.u32 s8, $0x1;
	s1 =	smul.u32 $0xC3500, s1  }
0xc: {  	s26 =	sadd.s32 s15, s14;
	s15 =	simm.s32 $0x7;
	s9 =	sadd.s32 s9, s6  }
0xd: {  	s10 =	ssub.s32 s8, s10;
	s3 =	sshrl.u32 s3, $0x3;
	s8 =	sadd.s32 $0x4A800, s9  }
0xe: {  	s9 =	smax.u32 s10, $0x1;
	s1 =	sadd.s32 s14, s1;
	s14 =	sadd.s32 s0, s26  }
0xf: {  	s0 =	simm.s32 $0x6;
	s7 =	sadd.s32 s3, s6;
	s10 =	sadd.s32 $0xC15C0, s1  }
0x10: {  	s11 =	sadd.s32 $0xC1D90, s1;
	s12 =	sadd.s32 $0xC2560, s1;
	s13 =	sadd.s32 $0xC2D30, s1  }
0x11: {  	s1 =	simm.s32 $0x5;
	s6 =	sadd.s32 $0xA00, s7;
	s7 =	sadd.s32 $0x6E00, s7  }
.LBB2_1:
0x12: {  	[tilespmem:s2], [sflag:$0x7] =	stream.linear.gather [hbm4b:s6+s2], $0x1900, $0x38;
	[tilespmem:$0x17710] =	vst v63  }
0x13: {  	_ =	swait.ge [sflag:s15], $0x1900  }
0x14: {  	[sflag:s15] =	ssyncset.done $0x0  }
0x15: {  	[sflag:s15] =	ssyncadd.s32 $0xFFFFE700  }
0x16: {  	[tilespmem:s16], [sflag:$0x7] =	stream.linear.gather [hbm4b:s7+s2], $0x1900, $0x38;
	[tilespmem:$0x17710] =	vst v63  }
0x17: {  	_ =	swait.ge [sflag:s15], $0x1900  }
0x18: {  	[sflag:s15] =	ssyncset.done $0x0  }
0x19: {  	[sflag:s15] =	ssyncadd.s32 $0xFFFFE700  }
0x1a: {  	[tilespmem:s18], [sflag:$0x1] =	stream.indirect.gather [hbm4b:s4+s17], $0x3E8, s2, s17, $0xb8;
	[tilespmem:$0x17710] =	vst v63  }
0x1b: {  	_ = 	snop  }
0x1c: {  	[tilespmem:s19], [sflag:$0x2] =	stream.indirect.gather [hbm4b:s4+s17], $0x3E8, s17, s17, $0xb8;
	[tilespmem:$0x17710] =	vst v63  }
0x1d: {  	s3 =	simm.s32 $0x20  }
0x1e: {  	[tilespmem:s21], [sflag:$0x3] =	stream.indirect.gather [hbm4b:s4+s17], $0x3E8, s3, s17, $0xb8;
	[tilespmem:$0x17710] =	vst v63  }
0x1f: {  	s26 =	simm.s32 $0x30;
	s24 =	simm.s32 $0x0  }
0x20: {  	[tilespmem:s23], [sflag:$0x4] =	stream.indirect.gather [hbm4b:s4+s17], $0x3E8, s26, s17, $0xb8;
	[tilespmem:$0x17710] =	vst v63  }
0x21: {  	v0 =	vld [tilespmem:s24+$0x0]  }
0x22: {  	s25 =	simm.s32 $0x40;
	v1 =	vld [tilespmem:s24+$0x1900]  }
.LBB2_2:
0x23: {  	_ = 	snop  }
0x24: {  	p0 =	sne.s32 s25, $0x63C0  }
.Ltmp0:
0x25: {  	_ = 	snop;
	(pc) =	sbr.rel @p0 .LBB2_2-.Ltmp0, $4  }
0x26: {  	v2 =	vmul.u32 $0x3E8, v0  }
0x27: {  	s26 =	sshra.s32 s25, $0x2  }
0x28: {  	v0 =	vld [tilespmem:s26+$0x0];
	v2 =	vadd.s32 v1, v2  }
0x29: {  	s25 =	sadd.s32 $0x40, s25;
	v1 =	vld [tilespmem:s26+$0x1900];
	[tilespmem:s24+$0x3200] =	vst v2;
	s24 =	smov.u32 s26  }
0x2a: {  	_ =	sdelay $0x2  }
0x2b: {  	v0 =	vmul.u32 $0x3E8, v0;
	_ =	sdelay $0x1  }
0x2c: {  	v0 =	vadd.s32 v1, v0  }
0x2d: {  	s3 =	simm.s32 $0x3200;
	s20 =	simm.s32 $0x4B00;
	[tilespmem:s24+$0x3200] =	vst v0  }
0x2e: {  	[tilespmem:s20], [sflag:$0x5] =	stream.indirect.gather [hbm4b:s5+s16], $0x1, s3, s16, $0xb8;
	[tilespmem:$0x17710] =	vst v63  }
0x2f: {  	s25 =	simm.s32 $0x6400;
	s3 =	simm.s32 $0x0;
	s20 =	rddreg [dreg:$0x3]  }
0x30: {  	[tilespmem:s25], [sflag:$0x6] =	stream.indirect.gather [hbm4b:s20+s16], $0x1, s3, s16, $0xb8;
	[tilespmem:$0x17710] =	vst v63  }
0x31: {  	_ =	swait.ge [sflag:s28], $0x3E80  }
0x32: {  	[sflag:s28] =	ssyncset.done $0x0  }
0x33: {  	s24 =	sadd.s32 $0x0, s14;
	[sflag:s28] =	ssyncadd.s32 $0xFFFFC180  }
0x34: {  	[hbm4b:s24+s2] =	stream.linear.scatter [tilespmem:s18], [sflag:$0x7], $0x3E80, $0x38;
	[tilespmem:$0x17710] =	vst v63  }
0x35: {  	_ =	swait.ge [sflag:s15], $0x3E80  }
0x36: {  	[sflag:s15] =	ssyncset.done $0x0  }
0x37: {  	s25 =	simm.s32 $0x40;
	[sflag:s15] =	ssyncadd.s32 $0xFFFFC180  }
0x38: {  	[tilespmem:s18], [sflag:$0x1] =	stream.indirect.gather [hbm4b:s4+s17], $0x3E8, s25, s17, $0xb8;
	[tilespmem:$0x17710] =	vst v63  }
0x39: {  	_ =	swait.ge [sflag:s29], $0x3E80  }
0x3a: {  	[sflag:s29] =	ssyncset.done $0x0  }
0x3b: {  	s26 =	sadd.s32 $0x7D0, s24;
	[sflag:s29] =	ssyncadd.s32 $0xFFFFC180  }
0x3c: {  	[hbm4b:s26+s2] =	stream.linear.scatter [tilespmem:s19], [sflag:$0x7], $0x3E80, $0x38;
	[tilespmem:$0x17710] =	vst v63  }
0x3d: {  	_ =	swait.ge [sflag:s15], $0x3E80  }
0x3e: {  	[sflag:s15] =	ssyncset.done $0x0  }
0x3f: {  	s3 =	simm.s32 $0x50;
	[sflag:s15] =	ssyncadd.s32 $0xFFFFC180  }
0x40: {  	[tilespmem:s19], [sflag:$0x2] =	stream.indirect.gather [hbm4b:s4+s17], $0x3E8, s3, s17, $0xb8;
	[tilespmem:$0x17710] =	vst v63  }
0x41: {  	_ =	swait.ge [sflag:s30], $0x3E80  }
0x42: {  	[sflag:s30] =	ssyncset.done $0x0  }
0x43: {  	s20 =	sadd.s32 $0xFA0, s24;
	[sflag:s30] =	ssyncadd.s32 $0xFFFFC180  }
0x44: {  	[hbm4b:s20+s2] =	stream.linear.scatter [tilespmem:s21], [sflag:$0x7], $0x3E80, $0x38;
	[tilespmem:$0x17710] =	vst v63  }
0x45: {  	_ =	swait.ge [sflag:s15], $0x3E80  }
0x46: {  	[sflag:s15] =	ssyncset.done $0x0  }
0x47: {  	s26 =	simm.s32 $0x60;
	[sflag:s15] =	ssyncadd.s32 $0xFFFFC180  }
0x48: {  	[tilespmem:s21], [sflag:$0x3] =	stream.indirect.gather [hbm4b:s4+s17], $0x3E8, s26, s17, $0xb8;
	[tilespmem:$0x17710] =	vst v63  }
0x49: {  	_ =	swait.ge [sflag:s31], $0x3E80  }
0x4a: {  	[sflag:s31] =	ssyncset.done $0x0  }
0x4b: {  	s24 =	sadd.s32 $0x1770, s24;
	[sflag:s31] =	ssyncadd.s32 $0xFFFFC180  }
0x4c: {  	[hbm4b:s24+s2] =	stream.linear.scatter [tilespmem:s23], [sflag:$0x7], $0x3E80, $0x38;
	[tilespmem:$0x17710] =	vst v63  }
0x4d: {  	_ =	swait.ge [sflag:s15], $0x3E80  }
0x4e: {  	s25 =	simm.s32 $0x1F40;
	[sflag:s15] =	ssyncset.done $0x0  }
0x4f: {  	s26 =	simm.s32 $0xB0;
	s24 =	simm.s32 $0x70;
	[sflag:s15] =	ssyncadd.s32 $0xFFFFC180  }
.LBB2_4:
0x50: {  	[tilespmem:s23], [sflag:$0x4] =	stream.indirect.gather [hbm4b:s4+s17], $0x3E8, s24, s17, $0xb8;
	[tilespmem:$0x17710] =	vst v63  }
0x51: {  	s20 =	smov.u32 s25;
	s24 =	smov.u32 s26  }
0x52: {  	p0 =	sne.s32 s25, $0xBF680;
	s25 =	sadd.s32 $0x1F40, s25;
	_ =	swait.ge [sflag:s28], $0x3E80  }
0x53: {  	[sflag:s28] =	ssyncset.done $0x0  }
0x54: {  	s20 =	sadd.s32 s20, s14;
	[sflag:s28] =	ssyncadd.s32 $0xFFFFC180  }
0x55: {  	[hbm4b:s20+s2] =	stream.linear.scatter [tilespmem:s18], [sflag:$0x7], $0x3E80, $0x38;
	[tilespmem:$0x17710] =	vst v63  }
0x56: {  	_ =	swait.ge [sflag:s15], $0x3E80  }
0x57: {  	[sflag:s15] =	ssyncset.done $0x0  }
0x58: {  	s3 =	sadd.s32 $0xFFFFFFD0, s26;
	[sflag:s15] =	ssyncadd.s32 $0xFFFFC180  }
0x59: {  	[tilespmem:s18], [sflag:$0x1] =	stream.indirect.gather [hbm4b:s4+s17], $0x3E8, s3, s17, $0xb8;
	[tilespmem:$0x17710] =	vst v63  }
0x5a: {  	_ =	swait.ge [sflag:s29], $0x3E80  }
0x5b: {  	[sflag:s29] =	ssyncset.done $0x0  }
0x5c: {  	s3 =	sadd.s32 $0x7D0, s20;
	[sflag:s29] =	ssyncadd.s32 $0xFFFFC180  }
0x5d: {  	[hbm4b:s3+s2] =	stream.linear.scatter [tilespmem:s19], [sflag:$0x7], $0x3E80, $0x38;
	[tilespmem:$0x17710] =	vst v63  }
0x5e: {  	_ =	swait.ge [sflag:s15], $0x3E80  }
0x5f: {  	[sflag:s15] =	ssyncset.done $0x0  }
0x60: {  	s3 =	sadd.s32 $0xFFFFFFE0, s26;
	[sflag:s15] =	ssyncadd.s32 $0xFFFFC180  }
0x61: {  	[tilespmem:s19], [sflag:$0x2] =	stream.indirect.gather [hbm4b:s4+s17], $0x3E8, s3, s17, $0xb8;
	[tilespmem:$0x17710] =	vst v63  }
0x62: {  	_ =	swait.ge [sflag:s30], $0x3E80  }
0x63: {  	[sflag:s30] =	ssyncset.done $0x0  }
0x64: {  	s3 =	sadd.s32 $0xFA0, s20;
	[sflag:s30] =	ssyncadd.s32 $0xFFFFC180  }
0x65: {  	[hbm4b:s3+s2] =	stream.linear.scatter [tilespmem:s21], [sflag:$0x7], $0x3E80, $0x38;
	[tilespmem:$0x17710] =	vst v63  }
0x66: {  	_ =	swait.ge [sflag:s15], $0x3E80  }
0x67: {  	[sflag:s15] =	ssyncset.done $0x0  }
0x68: {  	s3 =	sadd.s32 $0xFFFFFFF0, s26;
	[sflag:s15] =	ssyncadd.s32 $0xFFFFC180  }
0x69: {  	[tilespmem:s21], [sflag:$0x3] =	stream.indirect.gather [hbm4b:s4+s17], $0x3E8, s3, s17, $0xb8;
	[tilespmem:$0x17710] =	vst v63  }
0x6a: {  	_ =	swait.ge [sflag:s31], $0x3E80  }
0x6b: {  	[sflag:s31] =	ssyncset.done $0x0  }
.Ltmp1:
0x6c: {  	s3 =	sadd.s32 $0x1770, s20;
	[sflag:s31] =	ssyncadd.s32 $0xFFFFC180;
	(pc) =	sbr.rel @p0 .LBB2_4-.Ltmp1, $4  }
0x6d: {  	[hbm4b:s3+s2] =	stream.linear.scatter [tilespmem:s23], [sflag:$0x7], $0x3E80, $0x38;
	[tilespmem:$0x17710] =	vst v63  }
0x6e: {  	_ =	swait.ge [sflag:s15], $0x3E80  }
0x6f: {  	[sflag:s15] =	ssyncset.done $0x0  }
0x70: {  	s26 =	sadd.s32 $0x40, s26;
	[sflag:s15] =	ssyncadd.s32 $0xFFFFC180  }
0x71: {  	[tilespmem:s23], [sflag:$0x4] =	stream.indirect.gather [hbm4b:s4+s17], $0x3E8, s24, s17, $0xb8;
	[tilespmem:$0x17710] =	vst v63  }
0x72: {  	_ =	swait.ge [sflag:s28], $0x3E80  }
0x73: {  	[sflag:s28] =	ssyncset.done $0x0  }
0x74: {  	s3 =	simm.s32 $0x0;
	[sflag:s28] =	ssyncadd.s32 $0xFFFFC180  }
0x75: {  	[hbm4b:s10+s3] =	stream.linear.scatter [tilespmem:s18], [sflag:$0x7], $0x3E80, $0x38;
	[tilespmem:$0x17710] =	vst v63  }
0x76: {  	_ =	swait.ge [sflag:s15], $0x3E80  }
0x77: {  	[sflag:s15] =	ssyncset.done $0x0  }
0x78: {  	[sflag:s15] =	ssyncadd.s32 $0xFFFFC180  }
0x79: {  	_ =	swait.ge [sflag:s29], $0x3E80  }
0x7a: {  	[sflag:s29] =	ssyncset.done $0x0  }
0x7b: {  	[sflag:s29] =	ssyncadd.s32 $0xFFFFC180  }
0x7c: {  	[hbm4b:s11+s3] =	stream.linear.scatter [tilespmem:s19], [sflag:$0x7], $0x3E80, $0x38;
	[tilespmem:$0x17710] =	vst v63  }
0x7d: {  	_ =	swait.ge [sflag:s15], $0x3E80  }
0x7e: {  	[sflag:s15] =	ssyncset.done $0x0  }
0x7f: {  	[sflag:s15] =	ssyncadd.s32 $0xFFFFC180  }
0x80: {  	_ =	swait.ge [sflag:s30], $0x3E80  }
0x81: {  	[sflag:s30] =	ssyncset.done $0x0  }
0x82: {  	[sflag:s30] =	ssyncadd.s32 $0xFFFFC180  }
0x83: {  	[hbm4b:s12+s3] =	stream.linear.scatter [tilespmem:s21], [sflag:$0x7], $0x3E80, $0x38;
	[tilespmem:$0x17710] =	vst v63  }
0x84: {  	_ =	swait.ge [sflag:s15], $0x3E80  }
0x85: {  	[sflag:s15] =	ssyncset.done $0x0  }
0x86: {  	[sflag:s15] =	ssyncadd.s32 $0xFFFFC180  }
0x87: {  	_ =	swait.ge [sflag:s31], $0x3E80  }
0x88: {  	[sflag:s31] =	ssyncset.done $0x0  }
0x89: {  	[sflag:s31] =	ssyncadd.s32 $0xFFFFC180  }
0x8a: {  	[hbm4b:s13+s3] =	stream.linear.scatter [tilespmem:s23], [sflag:$0x7], $0x3E80, $0x38;
	[tilespmem:$0x17710] =	vst v63  }
0x8b: {  	_ =	swait.ge [sflag:s15], $0x3E80  }
0x8c: {  	[sflag:s15] =	ssyncset.done $0x0  }
0x8d: {  	[sflag:s15] =	ssyncadd.s32 $0xFFFFC180  }
0x8e: {  	_ =	swait.ge [sflag:s1], $0x1900  }
0x8f: {  	[sflag:s1] =	ssyncset.done $0x0  }
0x90: {  	[sflag:s1] =	ssyncadd.s32 $0xFFFFE700  }
0x91: {  	_ =	swait.ge [sflag:s0], $0x1900  }
0x92: {  	[sflag:s0] =	ssyncset.done $0x0  }
0x93: {  	s26 =	simm.s32 $0x0;
	[sflag:s0] =	ssyncadd.s32 $0xFFFFE700  }
0x94: {  	v1 =	vld [tilespmem:s26+$0x6400]  }
0x95: {  	v0 =	vimm.f32 $0.0e+00;
	s24 =	simm.s32 $0x40;
	v2 =	vld [tilespmem:s26+$0x4B00]  }
.LBB2_6:
0x96: {  	_ = 	snop  }
0x97: {  	p0 =	sne.s32 s24, $0x63C0  }
.Ltmp2:
0x98: {  	_ = 	snop;
	(pc) =	sbr.rel @p0 .LBB2_6-.Ltmp2, $4  }
0x99: {  	_ = 	snop  }
0x9a: {  	s3 =	sshra.s32 s24, $0x2;
	v3 =	vsub.f32 v1, v2  }
0x9b: {  	v1 =	vld [tilespmem:s3+$0x6400]  }
0x9c: {  	s24 =	sadd.s32 $0x40, s24;
	v2 =	vld [tilespmem:s3+$0x4B00];
	v0 =	vadd.f32 v3, v0  }
0x9d: {  	_ =	sdelay $0x3  }
0x9e: {  	v1 =	vsub.f32 v1, v2;
	_ =	sdelay $0x1  }
0x9f: {  	s22 =	sadd.s32 $0x1, s22;
	v0 =	vadd.f32 v1, v0  }
0xa0: {  	p0 =	sne.s32 s22, s9  }
.Ltmp3:
0xa1: {  	s3 =	simm.s32 $0x7D00;
	[tilespmem:$0x7D00] =	vst v0;
	(pc) =	sbr.rel @p0 .LBB2_1-.Ltmp3, $4  }
0xa2: {  	[hbm4b:s8+s2] =	stream.linear.scatter [tilespmem:s3], [sflag:$0x7], $0x10, $0x38;
	[tilespmem:$0x17710] =	vst v63  }
0xa3: {  	_ =	swait.ge [sflag:s15], $0x10  }
0xa4: {  	[sflag:s15] =	ssyncset.done $0x0  }
0xa5: {  	[sflag:s15] =	ssyncadd.s32 $0xFFFFFFF0  }
0xa6: {  	_ =	sfence.sel $0x180000  }
0xa7: {  	[bflag:$0x0] =	sbarrier.arrive $0xFFFF  }
0xa8: {  	_ =	strace $0x90000047  }
0xa9: {  	s0 =	stileid.u32;
	[bflag:$0x2] =	sbarrier.arrive $0xFFFF  }
0xaa: {  	p0 =	sne.s32 s0, $0x0;
	s0 =	rddreg [dreg:$0x2]  }
0xab: {  	s0 =	sadd.s32 @!p0 $0x100000, s0  }
0xac: {  	[sflag:s0] =	ssyncadd.tile.s32 @!p0 $0x1;
	_ =	shalt  }
.Lfunc_end2:
_tile_overlayer_lowered:
.L_overlay_start_2:
0xad: {  	(tag) =	ssettag $0x2  }
0xae: {  	s0 =	rddreg [dreg:$0x0];
	s2 =	stileid.u32  }
0xaf: {  	s1 =	rddreg [dreg:$0x1];
	p0 =	sne.s32 s2, $0x0  }
0xb0: {  	s3 =	rddreg [dreg:$0x2];
	[bflag:$0x3] =	sbarrier.arrive $0xFFFF;
	s2 =	simm.s32 @!p0 $0x1C07  }
0xb1: {  	[timem:s3], [sflag:s2] =	dma.local @!p0 [hbm:s0], s1  }
0xb2: {  	s0 =	simm.s32 @!p0 $0x7  }
0xb3: {  	_ =	swait.ge @!p0 [sflag:s0], s1  }
0xb4: {  	s1 =	ssub.s32 @!p0 $0x0, s1;
	[sflag:s0] =	ssyncset.done @!p0 $0x0  }
0xb5: {  	[sflag:s0] =	ssyncadd.s32 @!p0 s1  }
0xb6: {  	[bflag:$0x3] =	sbarrier.arrive $0xFFFF  }
0xb7: {  	_ =	shalt  }

// kernel: sparse-core-data-format-call.cloned.1.call-start
scs
called_computation_lowered:
.L_overlay_start_0:
0x0: {  	s2 =	sld [smem:$0x3FD9]  }
0x1: {  	s3 =	sld [smem:$0x3FFE];
	_ =	sdelay $0x1  }
0x2: {  	s1 =	srdreg.scid  }
0x3: {  	s0 =	sand.u32 $0x1, s1  }
0x4: {  	s15 =	sshll.u32 s0, $0xA;
	s2 =	sadd.s32 s3, s2  }
0x5: {  	s2 =	sadd.s32 s2, s15  }
0x6: {  	[smem:$0x3FC5] =	sst s2  }
0x7: {  	_ = 	snop  }
0x8: {  	s2 =	sld [smem:$0x3FD0];
	_ =	sdelay $0x2  }
0x9: {  	s16 =	simm.s32 $0xA;
	s4 =	simm.s32 $0x10  }
0xa: {  	[smem:s4], [sflag:s16] =	dma.local [hbm:s2], $0x1  }
0xb: {  	_ =	swait.eq [sflag:s16], $0x1  }
0xc: {  	[sflag:s16] =	ssyncset.done $0x0  }
0xd: {  	[sflag:s16] =	ssyncadd.s32 $0xFFFFFFFF  }
0xe: {  	s17 =	sld [smem:$0x10];
	(tm) =	ssettm $0x1  }
0xf: {  	s18 =	sld [smem:$0x3FFB];
	_ =	sdelay $0x3  }
0x10: {  	_ =	strace s18  }
0x11: {  	s3 =	sld [smem:$0x3FFC];
	_ =	sdelay $0x3  }
0x12: {  	_ =	strace s3  }
0x13: {  	s3 =	sld [smem:$0x3FFD];
	_ =	sdelay $0x3  }
0x14: {  	_ =	strace s3  }
0x15: {  	_ =	strace $0x8FFFFFFF  }
0x16: {  	s19 =	sld [smem:$0x3FDB];
	_ =	sdelay $0x1  }
0x17: {  	s20 =	simm.s32 $_scs_section_size  }
0x18: {  	s5 =	simm.s32 $_size__tile_overlayer_lowered;
	s6 =	simm.s32 $_tile_overlayer_lowered  }
0x19: {  	s23 =	simm.s32 $0x1BFF;
	s22 =	sshll.u32 s6, $0x1;
	s3 =	sadd.s32 s20, s19  }
0x1a: {  	s7 =	simm.s32 $0x0;
	s21 =	sshll.u32 s5, $0x1;
	s5 =	sadd.s32 s22, s3  }
0x1b: {  	[timem:s7], [sflag:s23] =	dma.local [hbm:s5], s21  }
0x1c: {  	_ =	swait.ge [sflag:s23], s21  }
0x1d: {  	s4 =	ssub.s32 $0x0, s21;
	[sflag:s23] =	ssyncset.done $0x0  }
0x1e: {  	[sflag:s23] =	ssyncadd.s32 s4;
	_ =	sdelay $0x1  }
0x1f: {  	s24 =	simm.s32 $0x1B8B  }
0x20: {  	_ =	swait.ge [sflag:s24], $0x1  }
0x21: {  	[sflag:s24] =	ssyncset.done $0x0  }
0x22: {  	s26 =	simm.s32 $0x1B8E;
	s25 =	sld [smem:$0x3FFE];
	[sflag:s24] =	ssyncadd.s32 $0xFFFFFFFF  }
0x23: {  	s27 =	simm.s32 $execute0_lowered;
	[smem:$0x3FD2] =	sst s26  }
0x24: {  	s5 =	sshll.u32 s27, $0x1;
	_ =	strace $0x80000049;
	[dreg:$0x1] =	wrdreg $0xFFFFFFFF  }
0x25: {  	s28 =	simm.s32 $_size_execute0_lowered;
	s3 =	sadd.s32 s3, s5;
	[dreg:$0x0] =	wrdreg $0x0  }
0x26: {  	s5 =	sshll.u32 s28, $0x1;
	[dreg:$0x2] =	wrdreg s3  }
0x27: {  	[dreg:$0x3] =	wrdreg s5  }
0x28: {  	[dreg:$0x4] =	wrdreg $0xC0  }
0x29: {  	_ =	task [dreg:s7], $0x5FFFF  }
0x2a: {  	[dreg:$0x1] =	wrdreg $0xFFFFFFFF  }
0x2b: {  	[dreg:$0x0] =	wrdreg $0x60  }
0x2c: {  	[dreg:$0x2] =	wrdreg s25  }
0x2d: {  	[dreg:$0x3] =	wrdreg s17  }
0x2e: {  	[dreg:$0x4] =	wrdreg $0x9  }
0x2f: {  	_ =	task.clear_ibuf [dreg:s7], $0x5FFFF;
	_ =	strace $0x90000049  }
0x30: {  	s29 =	simm.s32 $0x9;
	_ =	strace $0x8000004B  }
0x31: {  	_ =	swait.ge [sflag:s29], $0x1  }
0x32: {  	[sflag:s29] =	ssyncadd.s32 $0xFFFFFFFF  }
0x33: {  	_ =	strace $0x9000004B  }
0x34: {  	_ =	sfence  }
0x35: {  	s30 =	sld [smem:$0x0];
	_ =	sdelay $0x2  }
0x36: {  	s31 =	sshll.u32 s1, $0xD;
	s1 =	sshrl.u32 s1, $0x2  }
0x37: {  	s3 =	sand.u32 $0x4000, s31;
	s1 =	sadd.s32 s1, s30  }
0x38: {  	s0 =	sor.u32 s3, s0;
	s1 =	sshll.u32 s1, $0x11  }
0x39: {  	s0 =	sor.u32 s1, s0  }
0x3a: {  	s0 =	sadd.s32 $0x8F2B, s0  }
0x3b: {  	[sflag:s0] =	ssyncadd.remote.s32 $0x1  }
0x3c: {  	_ =	sfence.sel $0xFFFF  }
0x3d: {  	[dreg:$0x0] =	wrdreg $0xFFFFFFFF;
	(pc) =	sbr.abs _section_cstart, $3  }
0x3e: {  	[dreg:$0x1] =	wrdreg $0xFFFFFFFF  }
0x3f: {  	_ =	task.clear_ibuf [dreg:s7], $0x2FFFF;
	_ =	strace $0x9FFFFFFF  }
0x40: {  	(tm) =	ssettm $0x7FFFFFFF  }
0x41: {  	_ =	shalt  }
tec
execute0_lowered:
.L_overlay_start_1:
0x0: {  	(tag) =	ssettag $0x1  }
0x1: {  	s0 =	srdreg.scid;
	s5 =	rddreg [dreg:$0x0]  }
0x2: {  	s3 =	rddreg [dreg:$0x1];
	s1 =	sshll.u32 s0, $0x4  }
0x3: {  	s7 =	simm.s32 $0x1;
	s0 =	stileid.u32;
	s1 =	sand.u32 $0x10, s1  }
0x4: {  	s8 =	simm.s32 $0x2;
	s15 =	simm.s32 $0x0;
	s1 =	sor.u32 s0, s1  }
0x5: {  	s14 =	simm.s32 $0x0;
	s9 =	simm.s32 $0x0;
	s2 =	sshll.u32 s1, $0x7  }
0x6: {  	s10 =	simm.s32 $0x0;
	s11 =	simm.s32 $0x0;
	s6 =	ssub.s32 $0x32000, s2  }
0x7: {  	s13 =	simm.s32 $0x0;
	s5 =	sadd.s32 $0x4AA00, s5;
	s4 =	sand.u32 $0xF80, s6  }
.Ltmp0:
0x8: {  	s1 =	rddreg [dreg:$0x2];
	p0 =	sne.s32 s4, $0x0;
	(pc) =	sbr.rel .LBB1_1-.Ltmp0, $4  }
0x9: {  	_ =	strace $0x8000004A;
	s6 =	sshrl.u32 s6, $0xC;
	s7 =	simm.s32 @!p0 $0x0  }
0xa: {  	s12 =	smov.u32 s2;
	s4 =	simm.s32 $0x1;
	s6 =	sadd.s32 s7, s6  }
0xb: {  	[sflag:s4] =	ssyncpa.u1 $0x0;
	p0 =	por $0x0, $0x0;
	s6 =	sshll.u32 s6, $0x3  }
0xc: {  	[sflag:s8] =	ssyncpa.u1 $0x0;
	s8 =	simm.s32 $0x190000;
	s7 =	sor.u32 $0x1, s6  }
.LBB1_4:
0xd: {  	s21 =	sshrl.u32 s9, $0x3;
	s22 =	sshll.u32 s10, $0x3  }
0xe: {  	s20 =	sshra.s32 s20, $0x2;
	s23 =	sshll.u32 s9, $0x7;
	s24 =	sand.u32 $0x7F, s10  }
0xf: {  	p1 =	sgt.s32 s9, $0x368;
	s28 =	sshra.s32 s9, $0x1F;
	s21 =	smul.u32 $0x190000, s21  }
0x10: {  	s29 =	sshra.s32 s10, $0x1F;
	s22 =	sand.u32 $0xFFFFFC00, s22;
	s25 =	sand.u32 $0x380, s23  }
0x11: {  	s19 =	sadd.s32 s20, s19;
	s26 =	sor.u32 s24, s25;
	s21 =	sadd.s32 s22, s21  }
0x12: {  	s27 =	smulhi.u32 $0x51EB851F, s21;
	s20 =	sor.u32 s21, s26;
	s21 =	smov.u32 s9  }
0x13: {  	v5 =	vld [tilespmem:s17+$0xFFFFFFD0];
	[tilespmem:s18+$0x2040 ss:$0x81] =	vst.msk $0xffff, v4;
	s23 =	sand.u32 s28, s9;
	s24 =	sand.u32 s29, s10;
	s21 =	simm.s32 @!p1 $0x368  }
0x14: {  	v58 =	vld [tilespmem:s17+$0xFFFFFFE0];
	[tilespmem:s18+$0x2850 ss:$0x81] =	vst.msk $0xffff, v3;
	p1 =	sgt.s32 s10, $0x31F80;
	s30 =	smulhi.u32 $0x51EB851F, s20;
	s22 =	sshrl.u32 s27, $0x10  }
0x15: {  	v59 =	vld [tilespmem:s17+$0xFFFFFFF0];
	[tilespmem:s18+$0x3060 ss:$0x81] =	vst.msk $0xffff, v2;
	s21 =	ssub.s32 s21, s23;
	s23 =	smov.u32 s10;
	s25 =	smul.u32 $0x8313, s22  }
0x16: {  	v60 =	vld [tilespmem:s17+$0x0];
	[tilespmem:s18+$0x0 ss:$0x81] =	vst.msk $0xffff, v0;
	s23 =	simm.s32 @!p1 $0x31F80;
	s31 =	sadd.s32 $0xFFFFFC98, s21;
	s18 =	sshrl.u32 s30, $0x10  }
0x17: {  	v61 =	vld [tilespmem:s17+$0x10];
	[tilespmem:s19+$0x3870 ss:$0x81] =	vst.msk $0xffff, v1;
	s23 =	ssub.s32 s23, s24;
	s28 =	smul.u32 $0x32000, s18;
	s25 =	sshrl.u32 s25, $0x19  }
0x18: {  	v62 =	vld [tilespmem:s17+$0x20];
	[tilespmem:s19+$0x810 ss:$0x81] =	vst.msk $0xffff, v5;
	p1 =	sgt.s32 s31, $0x7F;
	s26 =	sadd.s32 $0xFFFCE080, s23;
	s27 =	smul.u32 $0x3E8, s25  }
0x19: {  	v63 =	vld [tilespmem:s17+$0xFFFFFFC0];
	[tilespmem:s19+$0x1020 ss:$0x81] =	vst.msk $0xffff, v58;
	s18 =	ssub.s32 $0x3E8, s21;
	s21 =	ssub.s32 $0x32000, s23;
	p2 =	sgt.s32 s26, $0x7F  }
0x1a: {  	[tilespmem:s19+$0x1830 ss:$0x81] =	vst.msk $0xffff, v59;
	s18 =	simm.s32 @p1 $0x0;
	s21 =	simm.s32 @p2 $0x0;
	s22 =	ssub.s32 s22, s27  }
0x1b: {  	[tilespmem:s19+$0x2040 ss:$0x81] =	vst.msk $0xffff, v60;
	s17 =	ssub.s32 s20, s28;
	s18 =	smul.u32 s21, s18;
	s29 =	sand.u32 $0xFFFF, s22  }
0x1c: {  	[tilespmem:s19+$0x2850 ss:$0x81] =	vst.msk $0xffff, v61;
	s30 =	sshrl.u32 s17, $0x3;
	s17 =	sand.u32 $0x7, s17;
	s20 =	smul.u32 $0x6400, s29  }
0x1d: {  	[tilespmem:s19+$0x3060 ss:$0x81] =	vst.msk $0xffff, v62;
	s21 =	sadd.s32 s3, s30;
	s17 =	sshll.u32 s17, $0x12  }
0x1e: {  	[tilespmem:s19+$0x0 ss:$0x81] =	vst.msk $0xffff, v63;
	s17 =	sor.u32 $0x400, s17;
	s18 =	sand.u32 $0x3FFFFFFF, s18;
	s31 =	sadd.s32 s20, s21  }
0x1f: {  	[hbm4b:s31+s17] =	stream.strided.scatter [tilespmem:s16], [sflag:$0x2], s18, s8, s17, $0x20;
	[tilespmem:$0x10100] =	vst v63  }
.LBB1_5:
0x20: {  	p1 =	slt.u32 s13, $0x2  }
0x21: {  	s17 =	smov.u32 s15;
	p2 =	sgt.s32 @!p1 s15, $0x368;
	s16 =	sshra.s32 @!p1 s15, $0x1F  }
0x22: {  	p3 =	sgt.s32 @!p1 s14, $0x31F80;
	s18 =	sshra.s32 @!p1 s14, $0x1F;
	p2 =	por !p2, p1  }
0x23: {  	s15 =	sand.u32 @!p1 s16, s15;
	p3 =	por !p3, p1;
	s16 =	smov.u32 s14  }
0x24: {  	s14 =	sand.u32 @!p1 s18, s14;
	s17 =	simm.s32 @p2 $0x368;
	s16 =	simm.s32 @p3 $0x31F80  }
0x25: {  	s15 =	ssub.s32 @!p1 s17, s15;
	s14 =	ssub.s32 @!p1 s16, s14  }
0x26: {  	s18 =	smov.u32 s12;
	s16 =	sadd.s32 @!p1 $0xFFFFFC98, s15;
	s17 =	sadd.s32 @!p1 $0xFFFCE080, s14  }
0x27: {  	s15 =	ssub.s32 @!p1 $0x3E8, s15;
	p2 =	sgt.s32 @!p1 s16, $0x7F;
	p3 =	sgt.s32 @!p1 s17, $0x7F  }
0x28: {  	s14 =	ssub.s32 @!p1 $0x32000, s14;
	p2 =	por !p2, p1;
	p3 =	por !p3, p1  }
0x29: {  	s16 =	sadd.s32 $0x80, s11;
	s15 =	simm.s32 @!p2 $0x0;
	s14 =	simm.s32 @!p3 $0x0  }
0x2a: {  	p2 =	sgt.s32 s16, $0x3E7;
	s14 =	smul.u32 @!p1 s14, s15;
	s15 =	sadd.s32 $0x1000, s12  }
0x2b: {  	s18 =	smov.u32 @p2 s15  }
0x2c: {  	s16 =	simm.s32 @p2 $0x0;
	p2 =	sgt.s32 s18, $0x31FFF  }
0x2d: {  	s18 =	smov.u32 @p2 s2;
	p2 =	sne.s32 s13, s7  }
.Ltmp1:
0x2e: {  	p0 =	por !p0, !p0;
	s17 =	simm.s32 @!p1 $0x2;
	(pc) =	sbr.rel @!p2 .LBB1_6-.Ltmp1, $4  }
0x2f: {  	s15 =	smov.u32 s9;
	s9 =	smov.u32 s11;
	s14 =	sand.u32 @!p1 $0x3FFFFFFF, s14  }
0x30: {  	s11 =	smov.u32 s16;
	_ =	swait.ge @!p1 [sflag:s17], s14;
	s19 =	ssub.s32 @!p1 $0x0, s14  }
0x31: {  	s14 =	smov.u32 s10;
	s13 =	sadd.s32 $0x1, s13;
	[sflag:s17] =	ssyncset.done @!p1 $0x0  }
0x32: {  	s10 =	smov.u32 s12;
	s12 =	smov.u32 s18;
	[sflag:s17] =	ssyncadd.s32 @!p1 s19  }
.LBB1_1:
0x33: {  	p1 =	sge.u32 s13, s6  }
0x34: {  	s16 =	sshll.u32 @!p1 s12, $0xA  }
0x35: {  	s17 =	sshll.u32 @!p1 s11, $0x3;
	s16 =	sand.u32 @!p1 $0xFFFFE000, s16  }
0x36: {  	s16 =	sadd.s32 @!p1 s16, s17  }
0x37: {  	s16 =	sshrl.u32 @!p1 s16, $0xA  }
0x38: {  	s17 =	smulhi.u32 @!p1 $0x28F5C3, s16  }
0x39: {  	s18 =	sxor.u32 @!p1 $0xFFFFFFFF, s13  }
0x3a: {  	s19 =	sshll.u32 @!p1 s12, $0x7;
	s20 =	sand.u32 @!p1 $0x78, s11;
	s17 =	sshrl.u32 @!p1 s17, $0x7  }
0x3b: {  	s18 =	sshll.u32 @!p1 s18, $0xE;
	s19 =	sand.u32 @!p1 $0x380, s19;
	s17 =	smul.u32 @!p1 $0x32000, s17  }
0x3c: {  	s31 =	sadd.s32 $0xFFFFFFFF, s13;
	s19 =	sor.u32 @!p1 s20, s19;
	s18 =	sand.u32 @!p1 $0x4000, s18  }
0x3d: {  	s16 =	ssub.s32 @!p1 s16, s17;
	s17 =	sshrl.u32 @!p1 s19, $0x3;
	s19 =	sand.u32 @!p1 $0x7, s11  }
0x3e: {  	s16 =	sshll.u32 @!p1 s16, $0x7;
	s17 =	sadd.s32 @!p1 s5, s17;
	s19 =	sshll.u32 @!p1 s19, $0x12  }
0x3f: {  	s16 =	sadd.s32 @!p1 s16, s17;
	s17 =	sor.u32 @!p1 $0x400, s19;
	s19 =	simm.s32 @!p1 $0x2000  }
0x40: {  	[tilespmem:s18], [sflag:$0x1] =	stream.strided.gather @!p1 [hbm4b:s16+s17], $0x4000, s19, s17, $0x38;
	[tilespmem:$0x10100] =	vst v63  }
0x41: {  	p1 =	sge.u32 s31, s6  }
.Ltmp2:
0x42: {  	_ = 	snop;
	(pc) =	sbr.rel @p1 .LBB1_5-.Ltmp2, $1  }
0x43: {  	_ =	sdelay $0x3  }
0x44: {  	s16 =	simm.s32 $0x1  }
0x45: {  	_ =	swait.ge [sflag:s4], $0x4000;
	s16 =	simm.s32 @!p0 $0x0  }
0x46: {  	[sflag:s4] =	ssyncset.done $0x0;
	s17 =	sshll.u32 s16, $0xE  }
0x47: {  	[sflag:s4] =	ssyncadd.s32 $0xFFFFC000;
	s17 =	sor.u32 $0x40, s17  }
0x48: {  	s16 =	smul.u32 $0x10200, s16;
	v0 =	vld [tilespmem:s17+$0x30]  }
0x49: {  	v1 =	vld [tilespmem:s17+$0xFFFFFFD0]  }
0x4a: {  	s16 =	sshrl.u32 s16, $0x2;
	v5 =	vld [tilespmem:s17+$0xFFFFFFE0]  }
0x4b: {  	v6 =	vld [tilespmem:s17+$0xFFFFFFF0];
	s19 =	sor.u32 $0x8000, s16  }
0x4c: {  	s31 =	sand.u32 $0x1, s13;
	v4 =	vld [tilespmem:s17+$0x0];
	s18 =	sadd.s32 $0x0, s19  }
0x4d: {  	v3 =	vld [tilespmem:s17+$0x10];
	s16 =	smul.u32 $0x10200, s31;
	[tilespmem:s18+$0x3870 ss:$0x81] =	vst.msk $0xffff, v0  }
0x4e: {  	v2 =	vld [tilespmem:s17+$0x20];
	[tilespmem:s18+$0x810 ss:$0x81] =	vst.msk $0xffff, v1  }
0x4f: {  	s16 =	sshrl.u32 s16, $0x2;
	v0 =	vld [tilespmem:s17+$0xFFFFFFC0];
	[tilespmem:s18+$0x1020 ss:$0x81] =	vst.msk $0xffff, v5;
	s17 =	sadd.s32 $0x80, s17  }
0x50: {  	s20 =	simm.s32 $0x4;
	s21 =	simm.s32 $0x8;
	s16 =	sor.u32 $0x8000, s16;
	[tilespmem:s18+$0x1830 ss:$0x81] =	vst.msk $0xffff, v6;
	v1 =	vld [tilespmem:s17+$0x30]  }
.LBB1_3:
0x51: {  	p1 =	sne.s32 s21, $0x1FC;
	v5 =	vld [tilespmem:s17+$0xFFFFFFD0];
	[tilespmem:s18+$0x2040 ss:$0x81] =	vst.msk $0xffff, v4  }
0x52: {  	v6 =	vld [tilespmem:s17+$0xFFFFFFE0];
	[tilespmem:s18+$0x2850 ss:$0x81] =	vst.msk $0xffff, v3  }
0x53: {  	s22 =	sshra.s32 s20, $0x2;
	s20 =	smov.u32 s21;
	v7 =	vld [tilespmem:s17+$0xFFFFFFF0];
	[tilespmem:s18+$0x3060 ss:$0x81] =	vst.msk $0xffff, v2  }
.Ltmp3:
0x54: {  	v4 =	vld [tilespmem:s17+$0x0];
	[tilespmem:s18+$0x0 ss:$0x81] =	vst.msk $0xffff, v0;
	s18 =	sadd.s32 s22, s19;
	(pc) =	sbr.rel @p1 .LBB1_3-.Ltmp3, $4  }
0x55: {  	v3 =	vld [tilespmem:s17+$0x10];
	[tilespmem:s18+$0x3870 ss:$0x81] =	vst.msk $0xffff, v1  }
0x56: {  	[tilespmem:s18+$0x810 ss:$0x81] =	vst.msk $0xffff, v5;
	v2 =	vld [tilespmem:s17+$0x20]  }
0x57: {  	v0 =	vld [tilespmem:s17+$0xFFFFFFC0];
	[tilespmem:s18+$0x1020 ss:$0x81] =	vst.msk $0xffff, v6;
	s17 =	sadd.s32 $0x80, s17  }
0x58: {  	s21 =	sadd.s32 $0x4, s21;
	v1 =	vld [tilespmem:s17+$0x30];
	[tilespmem:s18+$0x1830 ss:$0x81] =	vst.msk $0xffff, v7  }
.Ltmp4:
0x59: {  	_ = 	snop;
	(pc) =	sbr.rel .LBB1_4-.Ltmp4, $1  }
0x5a: {  	_ =	sdelay $0x3  }
.LBB1_6:
0x5b: {  	_ =	sfence.sel $0x180000  }
0x5c: {  	s2 =	simm.s32 $0x1;
	[bflag:$0x0] =	sbarrier.arrive $0xFFFF  }
0x5d: {  	s31 =	simm.s32 $0x2;
	[sflag:s2] =	ssyncpa.u1 $0x1  }
0x5e: {  	[sflag:s31] =	ssyncpa.u1 $0x1  }
0x5f: {  	p0 =	sne.s32 s0, $0x0;
	_ =	strace $0x9000004A  }
0x60: {  	s0 =	sadd.s32 @!p0 $0x100000, s1;
	[bflag:$0x2] =	sbarrier.arrive $0xFFFF  }
0x61: {  	[sflag:s0] =	ssyncadd.tile.s32 @!p0 $0x1;
	_ =	shalt  }
.Lfunc_end1:
_tile_overlayer_lowered:
.L_overlay_start_2:
0x62: {  	(tag) =	ssettag $0x2  }
0x63: {  	s0 =	rddreg [dreg:$0x0];
	s2 =	stileid.u32  }
0x64: {  	s1 =	rddreg [dreg:$0x1];
	p0 =	sne.s32 s2, $0x0  }
0x65: {  	s3 =	rddreg [dreg:$0x2];
	[bflag:$0x3] =	sbarrier.arrive $0xFFFF;
	s2 =	simm.s32 @!p0 $0x1C01  }
0x66: {  	[timem:s3], [sflag:s2] =	dma.local @!p0 [hbm:s0], s1  }
0x67: {  	s0 =	simm.s32 @!p0 $0x1  }
0x68: {  	_ =	swait.ge @!p0 [sflag:s0], s1  }
0x69: {  	s1 =	ssub.s32 @!p0 $0x0, s1;
	[sflag:s0] =	ssyncset.done @!p0 $0x0  }
0x6a: {  	[sflag:s0] =	ssyncadd.s32 @!p0 s1  }
0x6b: {  	[bflag:$0x3] =	sbarrier.arrive $0xFFFF  }
0x6c: {  	_ =	shalt  }

</sc_bundles>
